<compile_context>
chip_gen: v7x
topology: tpu7x:2x2x1
jax: 0.10.2.dev20260603
libtpu: 0.0.44.dev20260713+nightly
codegen_flags: <defaults>
</compile_context>

<pallas_src>
import functools

import jax
import jax.numpy as jnp
from jax import lax
from jax.experimental import pallas as pl
from jax.experimental.pallas import tpu as pltpu
from jax.experimental.pallas import tpu_sc as plsc

N = 10000
D = 128
E = 320000
NC = 2
NS = 16
NW = NC * NS
EPW = E // NW
WB = 64
NWIN = EPW // WB
TB = EPW - NWIN * WB
NB = 4
NOUT = NWIN // NB
STRIPE = 624
LSTR = N - 15 * STRIPE


def _seg_body(with_deg, *refs):
    feat_hbm, srcf_hbm, dstf_hbm, zrows_hbm = refs[:4]
    if with_deg:
        parts_hbm, degp_hbm, acc_sh, deg_sh, srcv = refs[4:9]
        k = 9
    else:
        parts_hbm, acc_sh, srcv = refs[4:7]
        k = 7
    dstb = refs[k:k + NB]
    rows = refs[k + NB:k + 2 * NB]
    tdst, trows = refs[k + 2 * NB:k + 2 * NB + 2]
    k += 2
    if with_deg:
        ones_v, deg_v = refs[k + 2 * NB:k + 2 * NB + 2]
        k += 2
    gsem = refs[k + 2 * NB:k + 3 * NB]
    dsem = refs[k + 3 * NB:k + 4 * NB]
    c = lax.axis_index("c")
    s = lax.axis_index("s")
    wid = s * NC + c
    base = pl.multiple_of(wid * EPW, 8)
    st = pl.multiple_of(s * STRIPE, 8)

    pltpu.sync_copy(srcf_hbm.at[pl.ds(base, EPW)], srcv)

    for b in range(NB):
        off = pl.multiple_of(base + b * WB, 8)
        pltpu.async_copy(dstf_hbm.at[pl.ds(off, WB)], dstb[b], dsem[b])
        pltpu.async_copy(feat_hbm.at[srcv.at[pl.ds(b * WB, WB)]], rows[b],
                         gsem[b])

    @pl.when(s < 15)
    def _():
        pltpu.sync_copy(zrows_hbm.at[pl.ds(st, STRIPE)],
                        acc_sh.at[pl.ds(st, STRIPE)])

    @pl.when(s == 15)
    def _():
        pltpu.sync_copy(zrows_hbm.at[pl.ds(15 * STRIPE, LSTR)],
                        acc_sh.at[pl.ds(15 * STRIPE, LSTR)])

    if with_deg:
        def zro(j, carry):
            deg_v[pl.ds(pl.multiple_of(16 * j, 16), 16)] = (
                jnp.zeros((16,), jnp.float32))
            return carry
        lax.fori_loop(0, LSTR // 16, zro, 0)

        @pl.when(s < 15)
        def _():
            pltpu.sync_copy(deg_v.at[pl.ds(0, STRIPE)],
                            deg_sh.at[pl.ds(st, STRIPE)])

        @pl.when(s == 15)
        def _():
            pltpu.sync_copy(deg_v, deg_sh.at[pl.ds(15 * STRIPE, LSTR)])

        for j in range(WB // 16):
            ones_v[pl.ds(16 * j, 16)] = jnp.ones((16,), jnp.float32)
    plsc.subcore_barrier()

    def outer(g, carry):
        for b in range(NB):
            w = g * NB + b
            pltpu.make_async_copy(feat_hbm.at[srcv.at[pl.ds(0, WB)]], rows[b],
                                  gsem[b]).wait()
            pltpu.make_async_copy(dstf_hbm.at[pl.ds(0, WB)], dstb[b],
                                  dsem[b]).wait()
            pltpu.sync_copy(rows[b], acc_sh.at[dstb[b]], add=True)
            if with_deg:
                pltpu.sync_copy(ones_v, deg_sh.at[dstb[b]], add=True)

            @pl.when(g < NOUT - 1)
            def _():
                off = pl.multiple_of(base + (w + NB) * WB, 8)
                pltpu.async_copy(dstf_hbm.at[pl.ds(off, WB)], dstb[b],
                                 dsem[b])
                pltpu.async_copy(
                    feat_hbm.at[srcv.at[pl.ds((w + NB) * WB, WB)]], rows[b],
                    gsem[b])
        return carry

    lax.fori_loop(0, NOUT, outer, 0)

    toff = pl.multiple_of(base + NWIN * WB, 8)
    pltpu.sync_copy(dstf_hbm.at[pl.ds(toff, TB)], tdst)
    pltpu.async_copy(feat_hbm.at[srcv.at[pl.ds(NWIN * WB, TB)]], trows,
                     gsem[0]).wait()
    pltpu.sync_copy(trows, acc_sh.at[tdst], add=True)
    if with_deg:
        pltpu.sync_copy(ones_v.at[pl.ds(0, TB)], deg_sh.at[tdst], add=True)
    plsc.subcore_barrier()

    @pl.when(s < 15)
    def _():
        pltpu.sync_copy(acc_sh.at[pl.ds(st, STRIPE)],
                        parts_hbm.at[c, pl.ds(st, STRIPE)])

    @pl.when(s == 15)
    def _():
        pltpu.sync_copy(acc_sh.at[pl.ds(15 * STRIPE, LSTR)],
                        parts_hbm.at[c, pl.ds(15 * STRIPE, LSTR)])

    if with_deg:
        dgo = pl.multiple_of(c * N, 8)

        @pl.when(s < 15)
        def _():
            pltpu.sync_copy(deg_sh.at[pl.ds(st, STRIPE)],
                            deg_v.at[pl.ds(0, STRIPE)])
            pltpu.sync_copy(deg_v.at[pl.ds(0, STRIPE)],
                            degp_hbm.at[pl.ds(dgo + st, STRIPE)])

        @pl.when(s == 15)
        def _():
            pltpu.sync_copy(deg_sh.at[pl.ds(15 * STRIPE, LSTR)], deg_v)
            pltpu.sync_copy(deg_v,
                            degp_hbm.at[pl.ds(dgo + 15 * STRIPE, LSTR)])


_MESH = plsc.VectorSubcoreMesh(core_axis_name="c", subcore_axis_name="s",
                               num_cores=NC, num_subcores=NS)

_DSTBUFS = [pltpu.VMEM((WB,), jnp.int32) for _ in range(NB)]
_ROWBUFS = [pltpu.VMEM((WB, D), jnp.float32) for _ in range(NB)]
_SEMS = [pltpu.SemaphoreType.DMA for _ in range(2 * NB)]

_seg_deg_call = pl.kernel(
    functools.partial(_seg_body, True),
    out_type=[jax.ShapeDtypeStruct((NC, N, D), jnp.float32),
              jax.ShapeDtypeStruct((NC * N,), jnp.float32)],
    mesh=_MESH,
    scratch_types=[
        pltpu.VMEM_SHARED((N, D), jnp.float32),
        pltpu.VMEM_SHARED((N,), jnp.float32),
        pltpu.VMEM((EPW,), jnp.int32),
        *_DSTBUFS,
        *_ROWBUFS,
        pltpu.VMEM((TB,), jnp.int32),
        pltpu.VMEM((TB, D), jnp.float32),
        pltpu.VMEM((WB,), jnp.float32),
        pltpu.VMEM((LSTR,), jnp.float32),
        *_SEMS,
    ],
)

_seg_call = pl.kernel(
    functools.partial(_seg_body, False),
    out_type=[jax.ShapeDtypeStruct((NC, N, D), jnp.float32)],
    mesh=_MESH,
    scratch_types=[
        pltpu.VMEM_SHARED((N, D), jnp.float32),
        pltpu.VMEM((EPW,), jnp.int32),
        *_DSTBUFS,
        *_ROWBUFS,
        pltpu.VMEM((TB,), jnp.int32),
        pltpu.VMEM((TB, D), jnp.float32),
        *_SEMS,
    ],
)


def _dense_body(relu, nout, bn, parts_ref, degp_ref, feat_ref, ws_ref, wn_ref,
                b_ref, *out_refs):
    p = parts_ref[0] + parts_ref[1]
    d = degp_ref[0, :, 0] + degp_ref[1, :, 0]
    agg = p / jnp.maximum(d, 1.0)[:, None]
    y = (jnp.dot(feat_ref[...], ws_ref[...], preferred_element_type=jnp.float32)
         + jnp.dot(agg, wn_ref[...], preferred_element_type=jnp.float32)
         + b_ref[...])
    if relu:
        y = jnp.maximum(y, 0.0)
    if nout == 1:
        out_refs[0][...] = y
    else:
        h = y.shape[1] // nout
        for i, o in enumerate(out_refs):
            o[...] = y[:, i * h:(i + 1) * h]


def _dense(parts, degp, feat, ws, wn, b, relu, nout):
    bn = 5000
    grid = (N // bn,)
    d_out = ws.shape[1]
    h = d_out // nout
    return pl.pallas_call(
        functools.partial(_dense_body, relu, nout, bn),
        grid=grid,
        in_specs=[
            pl.BlockSpec((NC, bn, D), lambda i: (0, i, 0)),
            pl.BlockSpec((NC, bn, 1), lambda i: (0, i, 0)),
            pl.BlockSpec((bn, D), lambda i: (i, 0)),
            pl.BlockSpec((D, d_out), lambda i: (0, 0)),
            pl.BlockSpec((D, d_out), lambda i: (0, 0)),
            pl.BlockSpec((1, d_out), lambda i: (0, 0)),
        ],
        out_specs=[pl.BlockSpec((bn, h), lambda i: (i, 0))] * nout,
        out_shape=[jax.ShapeDtypeStruct((N, h), jnp.float32)] * nout,
    )(parts, degp, feat, ws, wn, b)


def _esplit_body(ei_ref, src_ref, dst_ref):
    src_ref[...] = ei_ref[0]
    dst_ref[...] = ei_ref[1]


def _esplit(edge_index):
    return pl.pallas_call(
        _esplit_body,
        out_shape=[jax.ShapeDtypeStruct((E,), jnp.int32)] * 2,
    )(edge_index)


def kernel(x, edge_index, W1_self, W1_neigh, b1, Wmu_self, Wmu_neigh, bmu,
           Wls_self, Wls_neigh, bls):
    srcf, dstf = _esplit(edge_index)
    zrows = jnp.zeros((N, D), jnp.float32)

    parts1, degp = _seg_deg_call(x, srcf, dstf, zrows)
    degp = degp.reshape(NC, N, 1)

    (h,) = _dense(parts1, degp, x, W1_self, W1_neigh, b1.reshape(1, D),
                  relu=True, nout=1)

    parts2 = _seg_call(h, srcf, dstf, zrows)[0]

    W2s = jnp.concatenate([Wmu_self, Wls_self], axis=1)
    W2n = jnp.concatenate([Wmu_neigh, Wls_neigh], axis=1)
    b2 = jnp.concatenate([bmu, bls]).reshape(1, D)
    mu, logstd = _dense(parts2, degp, h, W2s, W2n, b2, relu=False, nout=2)
    return mu, logstd

# --- scband reference (transcript-rebuilt; emitter-appended) ---
"""Pipeline reference for scband-variational-sageencoder-54597624267031 (READ-ONLY COPY).

The authoritative reference and input builder live on the scoring server;
editing this copy changes nothing except your own understanding.
"""

import jax, jax.numpy as jnp
import numpy as np

N = 10000
E = 320000
D_IN = 128
D_HID = 128  # 2 * out_channels
D_OUT = 64


def _init_w(key, fan_in, fan_out):
    return jax.random.normal(key, (fan_in, fan_out), dtype=jnp.float32) * (1.0 / np.sqrt(fan_in))


def setup_inputs(seed: int = 0) -> dict:
    key = jax.random.key(seed)
    ks = jax.random.split(key, 12)
    x = jax.random.normal(ks[0], (N, D_IN), dtype=jnp.float32)
    edge_index = jax.random.randint(ks[1], (2, E), 0, N, dtype=jnp.int32)
    W1_self = _init_w(ks[2], D_IN, D_HID)
    W1_neigh = _init_w(ks[3], D_IN, D_HID)
    b1 = jnp.zeros((D_HID,), dtype=jnp.float32)
    Wmu_self = _init_w(ks[4], D_HID, D_OUT)
    Wmu_neigh = _init_w(ks[5], D_HID, D_OUT)
    bmu = jnp.zeros((D_OUT,), dtype=jnp.float32)
    Wls_self = _init_w(ks[6], D_HID, D_OUT)
    Wls_neigh = _init_w(ks[7], D_HID, D_OUT)
    bls = jnp.zeros((D_OUT,), dtype=jnp.float32)
    return {
        'x': x, 'edge_index': edge_index,
        'W1_self': W1_self, 'W1_neigh': W1_neigh, 'b1': b1,
        'Wmu_self': Wmu_self, 'Wmu_neigh': Wmu_neigh, 'bmu': bmu,
        'Wls_self': Wls_self, 'Wls_neigh': Wls_neigh, 'bls': bls,
    }


def _sage_conv(x, edge_index, W_self, W_neigh, b):
    # GraphSAGE mean aggregation: gather messages from src, scatter-mean into dst.
    src = edge_index[0]
    dst = edge_index[1]
    msgs = jnp.take(x, src, axis=0)                       # gather  [E, d]
    agg = jax.ops.segment_sum(msgs, dst, num_segments=N)  # scatter-add [N, d]
    deg = jax.ops.segment_sum(jnp.ones((E,), dtype=x.dtype), dst, num_segments=N)
    agg = agg / jnp.maximum(deg, 1.0)[:, None]
    return x @ W_self + agg @ W_neigh + b


def reference(x, edge_index, W1_self, W1_neigh, b1, Wmu_self, Wmu_neigh, bmu, Wls_self, Wls_neigh, bls):
    h = jax.nn.relu(_sage_conv(x, edge_index, W1_self, W1_neigh, b1))
    mu = _sage_conv(h, edge_index, Wmu_self, Wmu_neigh, bmu)
    logstd = _sage_conv(h, edge_index, Wls_self, Wls_neigh, bls)
    return (mu, logstd)

if __name__ == "__main__":
    import jax
    _d = setup_inputs()
    print(jax.jit(kernel)(*tuple(_d.values())))

</pallas_src>

<mosaic_0001>
#map = affine_map<(d0, d1) -> (0, 0)>
#map1 = affine_map<(d0, d1) -> (0)>
#map2 = affine_map<(d0, d1) -> (0, 0, 0)>
module attributes {stable_mosaic.version = 14 : i64} {
  func.func @_seg_body(%arg0: i32, %arg1: i32, %arg2: memref<10000x128xf32, #tpu.memory_space<hbm>>, %arg3: memref<320000xi32, #tpu.memory_space<hbm>>, %arg4: memref<320000xi32, #tpu.memory_space<hbm>>, %arg5: memref<10000x128xf32, #tpu.memory_space<hbm>>, %arg6: memref<2x10000x128xf32, #tpu.memory_space<hbm>>, %arg7: memref<20000xf32, #tpu.memory_space<hbm>>, %arg8: memref<10000x128xf32, #tpu.memory_space<vmem_shared>>, %arg9: memref<10000xf32, #tpu.memory_space<vmem_shared>>, %arg10: memref<10000xi32, #tpu.memory_space<vmem>>, %arg11: memref<64xi32, #tpu.memory_space<vmem>>, %arg12: memref<64xi32, #tpu.memory_space<vmem>>, %arg13: memref<64xi32, #tpu.memory_space<vmem>>, %arg14: memref<64xi32, #tpu.memory_space<vmem>>, %arg15: memref<64x128xf32, #tpu.memory_space<vmem>>, %arg16: memref<64x128xf32, #tpu.memory_space<vmem>>, %arg17: memref<64x128xf32, #tpu.memory_space<vmem>>, %arg18: memref<64x128xf32, #tpu.memory_space<vmem>>, %arg19: memref<16xi32, #tpu.memory_space<vmem>>, %arg20: memref<16x128xf32, #tpu.memory_space<vmem>>, %arg21: memref<64xf32, #tpu.memory_space<vmem>>, %arg22: memref<640xf32, #tpu.memory_space<vmem>>, %arg23: memref<!tpu.dma_semaphore, #tpu.memory_space<semaphore_mem>>, %arg24: memref<!tpu.dma_semaphore, #tpu.memory_space<semaphore_mem>>, %arg25: memref<!tpu.dma_semaphore, #tpu.memory_space<semaphore_mem>>, %arg26: memref<!tpu.dma_semaphore, #tpu.memory_space<semaphore_mem>>, %arg27: memref<!tpu.dma_semaphore, #tpu.memory_space<semaphore_mem>>, %arg28: memref<!tpu.dma_semaphore, #tpu.memory_space<semaphore_mem>>, %arg29: memref<!tpu.dma_semaphore, #tpu.memory_space<semaphore_mem>>, %arg30: memref<!tpu.dma_semaphore, #tpu.memory_space<semaphore_mem>>) attributes {dimension_semantics = [#tpu.dimension_semantics<core_parallel>, #tpu.dimension_semantics<subcore_parallel>], iteration_bounds = array<i64: 2, 16>, scalar_prefetch = 0 : i64, scratch_operands = 23 : i64, tpu.core_type = #tpu.core_type<sc_vector_subcore>, window_params = [{transform_indices = #map}, {transform_indices = #map1}, {transform_indices = #map1}, {transform_indices = #map}, {transform_indices = #map2}, {transform_indices = #map1}]} {
    %mul3A = arith.constant 2 : i32
    %mul3A_0 = arith.muli %arg1, %mul3A : i32
    %add3A = arith.addi %mul3A_0, %arg0 : i32
    %mul3A_1 = arith.constant 10000 : i32
    %mul3A_2 = arith.muli %add3A, %mul3A_1 : i32
    %multiple_of3A = tpu.assume_multiple %mul3A_2, 8 : i32
    %mul3A_3 = arith.constant 624 : i32
    %mul3A_4 = arith.muli %arg1, %mul3A_3 : i32
    %multiple_of3A_5 = tpu.assume_multiple %mul3A_4, 8 : i32
    "tpu.region"() ({
      %run_scoped3A = tpu.sem_alloc : memref<!tpu.dma_semaphore, #tpu.memory_space<semaphore_mem>>
      %dma_start3A_130 = tpu.memref_slice %arg3[%multiple_of3A] : memref<320000xi32, #tpu.memory_space<hbm>> -> memref<10000xi32, #tpu.memory_space<hbm>>
      %dma_start3A_131 = tpu.memref_slice %arg3[%multiple_of3A] : memref<320000xi32, #tpu.memory_space<hbm>> -> memref<10000xi32, #tpu.memory_space<hbm>>
      tpu.enqueue_dma source(%dma_start3A_131 : memref<10000xi32, #tpu.memory_space<hbm>>) target(%arg10 : memref<10000xi32, #tpu.memory_space<vmem>>) target_semaphore(%run_scoped3A : memref<!tpu.dma_semaphore, #tpu.memory_space<semaphore_mem>>)
      %dma_wait3A_132 = tpu.memref_slice %arg3[%multiple_of3A] : memref<320000xi32, #tpu.memory_space<hbm>> -> memref<10000xi32, #tpu.memory_space<hbm>>
      %dma_wait3A_133 = tpu.memref_slice %arg3[%multiple_of3A] : memref<320000xi32, #tpu.memory_space<hbm>> -> memref<10000xi32, #tpu.memory_space<hbm>>
      tpu.wait_dma2 semaphore(%run_scoped3A : memref<!tpu.dma_semaphore, #tpu.memory_space<semaphore_mem>>) src(%dma_wait3A_133 : memref<10000xi32, #tpu.memory_space<hbm>>) dst(%arg10 : memref<10000xi32, #tpu.memory_space<vmem>>)
      tpu.yield
    }) : () -> ()
    %add3A_6 = arith.constant 0 : i32
    %add3A_7 = arith.addi %multiple_of3A, %add3A_6 : i32
    %multiple_of3A_8 = tpu.assume_multiple %add3A_7, 8 : i32
    %dma_start3A = tpu.memref_slice %arg4[%multiple_of3A_8] : memref<320000xi32, #tpu.memory_space<hbm>> -> memref<64xi32, #tpu.memory_space<hbm>>
    %dma_start3A_9 = tpu.memref_slice %arg4[%multiple_of3A_8] : memref<320000xi32, #tpu.memory_space<hbm>> -> memref<64xi32, #tpu.memory_space<hbm>>
    tpu.enqueue_dma source(%dma_start3A_9 : memref<64xi32, #tpu.memory_space<hbm>>) target(%arg11 : memref<64xi32, #tpu.memory_space<vmem>>) target_semaphore(%arg27 : memref<!tpu.dma_semaphore, #tpu.memory_space<semaphore_mem>>)
    %dma_start3A_10 = arith.constant 0 : i32
    %dma_start3A_11 = tpu.memref_slice %arg10[%dma_start3A_10] : memref<10000xi32, #tpu.memory_space<vmem>> -> memref<64xi32, #tpu.memory_space<vmem>>
    %dma_start3A_12 = arith.constant 0 : i32
    %dma_start3A_13 = arith.constant 0 : i32
    %dma_start3A_14 = tpu.memref_slice %arg2[%dma_start3A_12, %dma_start3A_13] : memref<10000x128xf32, #tpu.memory_space<hbm>> -> memref<10000x128xf32, #tpu.memory_space<hbm>>
    tpu.enqueue_indirect_dma source(%dma_start3A_14 : memref<10000x128xf32, #tpu.memory_space<hbm>>) target(%arg15 : memref<64x128xf32, #tpu.memory_space<vmem>>) offsets(%dma_start3A_11 : memref<64xi32, #tpu.memory_space<vmem>>) semaphore(%arg23 : memref<!tpu.dma_semaphore, #tpu.memory_space<semaphore_mem>>)
    %add3A_15 = arith.constant 64 : i32
    %add3A_16 = arith.addi %multiple_of3A, %add3A_15 : i32
    %multiple_of3A_17 = tpu.assume_multiple %add3A_16, 8 : i32
    %dma_start3A_18 = tpu.memref_slice %arg4[%multiple_of3A_17] : memref<320000xi32, #tpu.memory_space<hbm>> -> memref<64xi32, #tpu.memory_space<hbm>>
    %dma_start3A_19 = tpu.memref_slice %arg4[%multiple_of3A_17] : memref<320000xi32, #tpu.memory_space<hbm>> -> memref<64xi32, #tpu.memory_space<hbm>>
    tpu.enqueue_dma source(%dma_start3A_19 : memref<64xi32, #tpu.memory_space<hbm>>) target(%arg12 : memref<64xi32, #tpu.memory_space<vmem>>) target_semaphore(%arg28 : memref<!tpu.dma_semaphore, #tpu.memory_space<semaphore_mem>>)
    %dma_start3A_20 = arith.constant 64 : i32
    %dma_start3A_21 = tpu.memref_slice %arg10[%dma_start3A_20] : memref<10000xi32, #tpu.memory_space<vmem>> -> memref<64xi32, #tpu.memory_space<vmem>>
    %dma_start3A_22 = arith.constant 0 : i32
    %dma_start3A_23 = arith.constant 0 : i32
    %dma_start3A_24 = tpu.memref_slice %arg2[%dma_start3A_22, %dma_start3A_23] : memref<10000x128xf32, #tpu.memory_space<hbm>> -> memref<10000x128xf32, #tpu.memory_space<hbm>>
    tpu.enqueue_indirect_dma source(%dma_start3A_24 : memref<10000x128xf32, #tpu.memory_space<hbm>>) target(%arg16 : memref<64x128xf32, #tpu.memory_space<vmem>>) offsets(%dma_start3A_21 : memref<64xi32, #tpu.memory_space<vmem>>) semaphore(%arg24 : memref<!tpu.dma_semaphore, #tpu.memory_space<semaphore_mem>>)
    %add3A_25 = arith.constant 128 : i32
    %add3A_26 = arith.addi %multiple_of3A, %add3A_25 : i32
    %multiple_of3A_27 = tpu.assume_multiple %add3A_26, 8 : i32
    %dma_start3A_28 = tpu.memref_slice %arg4[%multiple_of3A_27] : memref<320000xi32, #tpu.memory_space<hbm>> -> memref<64xi32, #tpu.memory_space<hbm>>
    %dma_start3A_29 = tpu.memref_slice %arg4[%multiple_of3A_27] : memref<320000xi32, #tpu.memory_space<hbm>> -> memref<64xi32, #tpu.memory_space<hbm>>
    tpu.enqueue_dma source(%dma_start3A_29 : memref<64xi32, #tpu.memory_space<hbm>>) target(%arg13 : memref<64xi32, #tpu.memory_space<vmem>>) target_semaphore(%arg29 : memref<!tpu.dma_semaphore, #tpu.memory_space<semaphore_mem>>)
    %dma_start3A_30 = arith.constant 128 : i32
    %dma_start3A_31 = tpu.memref_slice %arg10[%dma_start3A_30] : memref<10000xi32, #tpu.memory_space<vmem>> -> memref<64xi32, #tpu.memory_space<vmem>>
    %dma_start3A_32 = arith.constant 0 : i32
    %dma_start3A_33 = arith.constant 0 : i32
    %dma_start3A_34 = tpu.memref_slice %arg2[%dma_start3A_32, %dma_start3A_33] : memref<10000x128xf32, #tpu.memory_space<hbm>> -> memref<10000x128xf32, #tpu.memory_space<hbm>>
    tpu.enqueue_indirect_dma source(%dma_start3A_34 : memref<10000x128xf32, #tpu.memory_space<hbm>>) target(%arg17 : memref<64x128xf32, #tpu.memory_space<vmem>>) offsets(%dma_start3A_31 : memref<64xi32, #tpu.memory_space<vmem>>) semaphore(%arg25 : memref<!tpu.dma_semaphore, #tpu.memory_space<semaphore_mem>>)
    %add3A_35 = arith.constant 192 : i32
    %add3A_36 = arith.addi %multiple_of3A, %add3A_35 : i32
    %multiple_of3A_37 = tpu.assume_multiple %add3A_36, 8 : i32
    %dma_start3A_38 = tpu.memref_slice %arg4[%multiple_of3A_37] : memref<320000xi32, #tpu.memory_space<hbm>> -> memref<64xi32, #tpu.memory_space<hbm>>
    %dma_start3A_39 = tpu.memref_slice %arg4[%multiple_of3A_37] : memref<320000xi32, #tpu.memory_space<hbm>> -> memref<64xi32, #tpu.memory_space<hbm>>
    tpu.enqueue_dma source(%dma_start3A_39 : memref<64xi32, #tpu.memory_space<hbm>>) target(%arg14 : memref<64xi32, #tpu.memory_space<vmem>>) target_semaphore(%arg30 : memref<!tpu.dma_semaphore, #tpu.memory_space<semaphore_mem>>)
    %dma_start3A_40 = arith.constant 192 : i32
    %dma_start3A_41 = tpu.memref_slice %arg10[%dma_start3A_40] : memref<10000xi32, #tpu.memory_space<vmem>> -> memref<64xi32, #tpu.memory_space<vmem>>
    %dma_start3A_42 = arith.constant 0 : i32
    %dma_start3A_43 = arith.constant 0 : i32
    %dma_start3A_44 = tpu.memref_slice %arg2[%dma_start3A_42, %dma_start3A_43] : memref<10000x128xf32, #tpu.memory_space<hbm>> -> memref<10000x128xf32, #tpu.memory_space<hbm>>
    tpu.enqueue_indirect_dma source(%dma_start3A_44 : memref<10000x128xf32, #tpu.memory_space<hbm>>) target(%arg18 : memref<64x128xf32, #tpu.memory_space<vmem>>) offsets(%dma_start3A_41 : memref<64xi32, #tpu.memory_space<vmem>>) semaphore(%arg26 : memref<!tpu.dma_semaphore, #tpu.memory_space<semaphore_mem>>)
    %lt3A = arith.constant 15 : i32
    %lt3A_45 = arith.cmpi slt, %arg1, %lt3A : i32
    %convert_element_type3A = arith.extui %lt3A_45 : i1 to i32
    %cond3A = arith.constant 0 : i32
    %cond3A_46 = arith.cmpi ne, %convert_element_type3A, %cond3A : i32
    scf.if %cond3A_46 {
      "tpu.region"() ({
        %run_scoped3A = tpu.sem_alloc : memref<!tpu.dma_semaphore, #tpu.memory_space<semaphore_mem>>
        %dma_start3A_130 = arith.constant 0 : i32
        %dma_start3A_131 = tpu.memref_slice %arg8[%multiple_of3A_5, %dma_start3A_130] : memref<10000x128xf32, #tpu.memory_space<vmem_shared>> -> memref<624x128xf32, #tpu.memory_space<vmem_shared>>
        %dma_start3A_132 = arith.constant 0 : i32
        %dma_start3A_133 = tpu.memref_slice %arg5[%multiple_of3A_5, %dma_start3A_132] : memref<10000x128xf32, #tpu.memory_space<hbm>> -> memref<624x128xf32, #tpu.memory_space<hbm>>
        tpu.enqueue_dma source(%dma_start3A_133 : memref<624x128xf32, #tpu.memory_space<hbm>>) target(%dma_start3A_131 : memref<624x128xf32, #tpu.memory_space<vmem_shared>>) target_semaphore(%run_scoped3A : memref<!tpu.dma_semaphore, #tpu.memory_space<semaphore_mem>>)
        %dma_wait3A_134 = arith.constant 0 : i32
        %dma_wait3A_135 = tpu.memref_slice %arg8[%multiple_of3A_5, %dma_wait3A_134] : memref<10000x128xf32, #tpu.memory_space<vmem_shared>> -> memref<624x128xf32, #tpu.memory_space<vmem_shared>>
        %dma_wait3A_136 = arith.constant 0 : i32
        %dma_wait3A_137 = tpu.memref_slice %arg5[%multiple_of3A_5, %dma_wait3A_136] : memref<10000x128xf32, #tpu.memory_space<hbm>> -> memref<624x128xf32, #tpu.memory_space<hbm>>
        tpu.wait_dma2 semaphore(%run_scoped3A : memref<!tpu.dma_semaphore, #tpu.memory_space<semaphore_mem>>) src(%dma_wait3A_137 : memref<624x128xf32, #tpu.memory_space<hbm>>) dst(%dma_wait3A_135 : memref<624x128xf32, #tpu.memory_space<vmem_shared>>)
        tpu.yield
      }) : () -> ()
    } else {
    }
    %eq3A = arith.constant 15 : i32
    %eq3A_47 = arith.cmpi eq, %arg1, %eq3A : i32
    %convert_element_type3A_48 = arith.extui %eq3A_47 : i1 to i32
    %cond3A_49 = arith.constant 0 : i32
    %cond3A_50 = arith.cmpi ne, %convert_element_type3A_48, %cond3A_49 : i32
    scf.if %cond3A_50 {
      "tpu.region"() ({
        %run_scoped3A = tpu.sem_alloc : memref<!tpu.dma_semaphore, #tpu.memory_space<semaphore_mem>>
        %dma_start3A_130 = arith.constant 9360 : i32
        %dma_start3A_131 = arith.constant 0 : i32
        %dma_start3A_132 = tpu.memref_slice %arg8[%dma_start3A_130, %dma_start3A_131] : memref<10000x128xf32, #tpu.memory_space<vmem_shared>> -> memref<640x128xf32, #tpu.memory_space<vmem_shared>>
        %dma_start3A_133 = arith.constant 9360 : i32
        %dma_start3A_134 = arith.constant 0 : i32
        %dma_start3A_135 = tpu.memref_slice %arg5[%dma_start3A_133, %dma_start3A_134] : memref<10000x128xf32, #tpu.memory_space<hbm>> -> memref<640x128xf32, #tpu.memory_space<hbm>>
        tpu.enqueue_dma source(%dma_start3A_135 : memref<640x128xf32, #tpu.memory_space<hbm>>) target(%dma_start3A_132 : memref<640x128xf32, #tpu.memory_space<vmem_shared>>) target_semaphore(%run_scoped3A : memref<!tpu.dma_semaphore, #tpu.memory_space<semaphore_mem>>)
        %dma_wait3A_136 = arith.constant 9360 : i32
        %dma_wait3A_137 = arith.constant 0 : i32
        %dma_wait3A_138 = tpu.memref_slice %arg8[%dma_wait3A_136, %dma_wait3A_137] : memref<10000x128xf32, #tpu.memory_space<vmem_shared>> -> memref<640x128xf32, #tpu.memory_space<vmem_shared>>
        %dma_wait3A_139 = arith.constant 9360 : i32
        %dma_wait3A_140 = arith.constant 0 : i32
        %dma_wait3A_141 = tpu.memref_slice %arg5[%dma_wait3A_139, %dma_wait3A_140] : memref<10000x128xf32, #tpu.memory_space<hbm>> -> memref<640x128xf32, #tpu.memory_space<hbm>>
        tpu.wait_dma2 semaphore(%run_scoped3A : memref<!tpu.dma_semaphore, #tpu.memory_space<semaphore_mem>>) src(%dma_wait3A_141 : memref<640x128xf32, #tpu.memory_space<hbm>>) dst(%dma_wait3A_138 : memref<640x128xf32, #tpu.memory_space<vmem_shared>>)
        tpu.yield
      }) : () -> ()
    } else {
    }
    %scan3A = arith.constant 0 : i32
    %scan3A_51 = arith.constant 0 : i32
    %scan3A_52 = arith.constant 40 : i32
    %scan3A_53 = arith.addi %scan3A_51, %scan3A_52 : i32
    %scan3A_54 = arith.constant 1 : i32
    scf.for %scan3A_130 = %scan3A_51 to %scan3A_53 step %scan3A_54  : i32 {
      %broadcast_in_dim3A_131 = arith.constant 0.000000e+00 : f32
      %broadcast_in_dim3A_132 = vector.broadcast %broadcast_in_dim3A_131 : f32 to vector<16xf32>
      %mul3A_133 = arith.constant 16 : i32
      %mul3A_134 = arith.muli %mul3A_133, %scan3A_130 : i32
      %multiple_of3A_135 = tpu.assume_multiple %mul3A_134, 16 : i32
      %swap3A_136 = arith.index_cast %multiple_of3A_135 : i32 to index
      %swap3A_137 = tpu.vector_load %arg22[%swap3A_136] {strides = array<i32>} : memref<640xf32, #tpu.memory_space<vmem>>, vector<16xf32>,
      %swap3A_138 = vector.shape_cast %swap3A_137 : vector<16xf32> to vector<16xf32>
      %swap3A_139 = vector.shape_cast %broadcast_in_dim3A_132 : vector<16xf32> to vector<16xf32>
      tpu.vector_store %arg22[%swap3A_136], %swap3A_139 {strides = array<i32>} : memref<640xf32, #tpu.memory_space<vmem>>, vector<16xf32>,
    }
    %scan3A_55 = arith.constant 40 : i32
    %lt3A_56 = arith.constant 15 : i32
    %lt3A_57 = arith.cmpi slt, %arg1, %lt3A_56 : i32
    %convert_element_type3A_58 = arith.extui %lt3A_57 : i1 to i32
    %cond3A_59 = arith.constant 0 : i32
    %cond3A_60 = arith.cmpi ne, %convert_element_type3A_58, %cond3A_59 : i32
    scf.if %cond3A_60 {
      "tpu.region"() ({
        %run_scoped3A = tpu.sem_alloc : memref<!tpu.dma_semaphore, #tpu.memory_space<semaphore_mem>>
        %dma_start3A_130 = arith.constant 0 : i32
        %dma_start3A_131 = tpu.memref_slice %arg22[%dma_start3A_130] : memref<640xf32, #tpu.memory_space<vmem>> -> memref<624xf32, #tpu.memory_space<vmem>>
        %dma_start3A_132 = tpu.memref_slice %arg9[%multiple_of3A_5] : memref<10000xf32, #tpu.memory_space<vmem_shared>> -> memref<624xf32, #tpu.memory_space<vmem_shared>>
        %dma_start3A_133 = tpu.memref_slice %arg9[%multiple_of3A_5] : memref<10000xf32, #tpu.memory_space<vmem_shared>> -> memref<624xf32, #tpu.memory_space<vmem_shared>>
        %dma_start3A_134 = arith.constant 0 : i32
        %dma_start3A_135 = tpu.memref_slice %arg22[%dma_start3A_134] : memref<640xf32, #tpu.memory_space<vmem>> -> memref<624xf32, #tpu.memory_space<vmem>>
        tpu.enqueue_dma source(%dma_start3A_135 : memref<624xf32, #tpu.memory_space<vmem>>) target(%dma_start3A_133 : memref<624xf32, #tpu.memory_space<vmem_shared>>) target_semaphore(%run_scoped3A : memref<!tpu.dma_semaphore, #tpu.memory_space<semaphore_mem>>)
        %dma_wait3A_136 = arith.constant 0 : i32
        %dma_wait3A_137 = tpu.memref_slice %arg22[%dma_wait3A_136] : memref<640xf32, #tpu.memory_space<vmem>> -> memref<624xf32, #tpu.memory_space<vmem>>
        %dma_wait3A_138 = tpu.memref_slice %arg9[%multiple_of3A_5] : memref<10000xf32, #tpu.memory_space<vmem_shared>> -> memref<624xf32, #tpu.memory_space<vmem_shared>>
        %dma_wait3A_139 = tpu.memref_slice %arg9[%multiple_of3A_5] : memref<10000xf32, #tpu.memory_space<vmem_shared>> -> memref<624xf32, #tpu.memory_space<vmem_shared>>
        %dma_wait3A_140 = arith.constant 0 : i32
        %dma_wait3A_141 = tpu.memref_slice %arg22[%dma_wait3A_140] : memref<640xf32, #tpu.memory_space<vmem>> -> memref<624xf32, #tpu.memory_space<vmem>>
        tpu.wait_dma2 semaphore(%run_scoped3A : memref<!tpu.dma_semaphore, #tpu.memory_space<semaphore_mem>>) src(%dma_wait3A_141 : memref<624xf32, #tpu.memory_space<vmem>>) dst(%dma_wait3A_139 : memref<624xf32, #tpu.memory_space<vmem_shared>>)
        tpu.yield
      }) : () -> ()
    } else {
    }
    %eq3A_61 = arith.constant 15 : i32
    %eq3A_62 = arith.cmpi eq, %arg1, %eq3A_61 : i32
    %convert_element_type3A_63 = arith.extui %eq3A_62 : i1 to i32
    %cond3A_64 = arith.constant 0 : i32
    %cond3A_65 = arith.cmpi ne, %convert_element_type3A_63, %cond3A_64 : i32
    scf.if %cond3A_65 {
      "tpu.region"() ({
        %run_scoped3A = tpu.sem_alloc : memref<!tpu.dma_semaphore, #tpu.memory_space<semaphore_mem>>
        %dma_start3A_130 = arith.constant 9360 : i32
        %dma_start3A_131 = tpu.memref_slice %arg9[%dma_start3A_130] : memref<10000xf32, #tpu.memory_space<vmem_shared>> -> memref<640xf32, #tpu.memory_space<vmem_shared>>
        %dma_start3A_132 = arith.constant 9360 : i32
        %dma_start3A_133 = tpu.memref_slice %arg9[%dma_start3A_132] : memref<10000xf32, #tpu.memory_space<vmem_shared>> -> memref<640xf32, #tpu.memory_space<vmem_shared>>
        tpu.enqueue_dma source(%arg22 : memref<640xf32, #tpu.memory_space<vmem>>) target(%dma_start3A_133 : memref<640xf32, #tpu.memory_space<vmem_shared>>) target_semaphore(%run_scoped3A : memref<!tpu.dma_semaphore, #tpu.memory_space<semaphore_mem>>)
        %dma_wait3A_134 = arith.constant 9360 : i32
        %dma_wait3A_135 = tpu.memref_slice %arg9[%dma_wait3A_134] : memref<10000xf32, #tpu.memory_space<vmem_shared>> -> memref<640xf32, #tpu.memory_space<vmem_shared>>
        %dma_wait3A_136 = arith.constant 9360 : i32
        %dma_wait3A_137 = tpu.memref_slice %arg9[%dma_wait3A_136] : memref<10000xf32, #tpu.memory_space<vmem_shared>> -> memref<640xf32, #tpu.memory_space<vmem_shared>>
        tpu.wait_dma2 semaphore(%run_scoped3A : memref<!tpu.dma_semaphore, #tpu.memory_space<semaphore_mem>>) src(%arg22 : memref<640xf32, #tpu.memory_space<vmem>>) dst(%dma_wait3A_137 : memref<640xf32, #tpu.memory_space<vmem_shared>>)
        tpu.yield
      }) : () -> ()
    } else {
    }
    %broadcast_in_dim3A = arith.constant 1.000000e+00 : f32
    %broadcast_in_dim3A_66 = vector.broadcast %broadcast_in_dim3A : f32 to vector<16xf32>
    %swap3A = arith.constant 0 : index
    %swap3A_67 = tpu.vector_load %arg21[%swap3A] {strides = array<i32>} : memref<64xf32, #tpu.memory_space<vmem>>, vector<16xf32>,
    %swap3A_68 = vector.shape_cast %swap3A_67 : vector<16xf32> to vector<16xf32>
    %swap3A_69 = vector.shape_cast %broadcast_in_dim3A_66 : vector<16xf32> to vector<16xf32>
    tpu.vector_store %arg21[%swap3A], %swap3A_69 {strides = array<i32>} : memref<64xf32, #tpu.memory_space<vmem>>, vector<16xf32>,
    %broadcast_in_dim3A_70 = arith.constant 1.000000e+00 : f32
    %broadcast_in_dim3A_71 = vector.broadcast %broadcast_in_dim3A_70 : f32 to vector<16xf32>
    %swap3A_72 = arith.constant 16 : index
    %swap3A_73 = tpu.vector_load %arg21[%swap3A_72] {strides = array<i32>} : memref<64xf32, #tpu.memory_space<vmem>>, vector<16xf32>,
    %swap3A_74 = vector.shape_cast %swap3A_73 : vector<16xf32> to vector<16xf32>
    %swap3A_75 = vector.shape_cast %broadcast_in_dim3A_71 : vector<16xf32> to vector<16xf32>
    tpu.vector_store %arg21[%swap3A_72], %swap3A_75 {strides = array<i32>} : memref<64xf32, #tpu.memory_space<vmem>>, vector<16xf32>,
    %broadcast_in_dim3A_76 = arith.constant 1.000000e+00 : f32
    %broadcast_in_dim3A_77 = vector.broadcast %broadcast_in_dim3A_76 : f32 to vector<16xf32>
    %swap3A_78 = arith.constant 32 : index
    %swap3A_79 = tpu.vector_load %arg21[%swap3A_78] {strides = array<i32>} : memref<64xf32, #tpu.memory_space<vmem>>, vector<16xf32>,
    %swap3A_80 = vector.shape_cast %swap3A_79 : vector<16xf32> to vector<16xf32>
    %swap3A_81 = vector.shape_cast %broadcast_in_dim3A_77 : vector<16xf32> to vector<16xf32>
    tpu.vector_store %arg21[%swap3A_78], %swap3A_81 {strides = array<i32>} : memref<64xf32, #tpu.memory_space<vmem>>, vector<16xf32>,
    %broadcast_in_dim3A_82 = arith.constant 1.000000e+00 : f32
    %broadcast_in_dim3A_83 = vector.broadcast %broadcast_in_dim3A_82 : f32 to vector<16xf32>
    %swap3A_84 = arith.constant 48 : index
    %swap3A_85 = tpu.vector_load %arg21[%swap3A_84] {strides = array<i32>} : memref<64xf32, #tpu.memory_space<vmem>>, vector<16xf32>,
    %swap3A_86 = vector.shape_cast %swap3A_85 : vector<16xf32> to vector<16xf32>
    %swap3A_87 = vector.shape_cast %broadcast_in_dim3A_83 : vector<16xf32> to vector<16xf32>
    tpu.vector_store %arg21[%swap3A_84], %swap3A_87 {strides = array<i32>} : memref<64xf32, #tpu.memory_space<vmem>>, vector<16xf32>,
    %barrier3A = arith.constant 0 : index
    tpu.barrier barrier_id(%barrier3A)
    %scan3A_88 = arith.constant 0 : i32
    %scan3A_89 = arith.constant 0 : i32
    %scan3A_90 = arith.constant 39 : i32
    %scan3A_91 = arith.addi %scan3A_89, %scan3A_90 : i32
    %scan3A_92 = arith.constant 1 : i32
    scf.for %scan3A_130 = %scan3A_89 to %scan3A_91 step %scan3A_92  : i32 {
      %mul3A_131 = arith.constant 4 : i32
      %mul3A_132 = arith.muli %scan3A_130, %mul3A_131 : i32
      %add3A_133 = arith.constant 0 : i32
      %add3A_134 = arith.addi %mul3A_132, %add3A_133 : i32
      %dma_wait3A_135 = arith.constant 0 : i32
      %dma_wait3A_136 = tpu.memref_slice %arg10[%dma_wait3A_135] : memref<10000xi32, #tpu.memory_space<vmem>> -> memref<64xi32, #tpu.memory_space<vmem>>
      %dma_wait3A_137 = arith.constant 0 : i32
      %dma_wait3A_138 = arith.constant 0 : i32
      %dma_wait3A_139 = tpu.memref_slice %arg2[%dma_wait3A_137, %dma_wait3A_138] : memref<10000x128xf32, #tpu.memory_space<hbm>> -> memref<10000x128xf32, #tpu.memory_space<hbm>>
      tpu.wait_indirect_dma semaphore(%arg23 : memref<!tpu.dma_semaphore, #tpu.memory_space<semaphore_mem>>) src(%dma_wait3A_139 : memref<10000x128xf32, #tpu.memory_space<hbm>>) dst(%arg15 : memref<64x128xf32, #tpu.memory_space<vmem>>)
      %dma_wait3A_140 = arith.constant 0 : i32
      %dma_wait3A_141 = tpu.memref_slice %arg4[%dma_wait3A_140] : memref<320000xi32, #tpu.memory_space<hbm>> -> memref<64xi32, #tpu.memory_space<hbm>>
      %dma_wait3A_142 = arith.constant 0 : i32
      %dma_wait3A_143 = tpu.memref_slice %arg4[%dma_wait3A_142] : memref<320000xi32, #tpu.memory_space<hbm>> -> memref<64xi32, #tpu.memory_space<hbm>>
      tpu.wait_dma2 semaphore(%arg27 : memref<!tpu.dma_semaphore, #tpu.memory_space<semaphore_mem>>) src(%dma_wait3A_143 : memref<64xi32, #tpu.memory_space<hbm>>) dst(%arg11 : memref<64xi32, #tpu.memory_space<vmem>>)
      "tpu.region"() ({
        %run_scoped3A = tpu.sem_alloc : memref<!tpu.dma_semaphore, #tpu.memory_space<semaphore_mem>>
        %dma_start3A_203 = arith.constant 0 : i32
        %dma_start3A_204 = arith.constant 0 : i32
        %dma_start3A_205 = tpu.memref_slice %arg8[%dma_start3A_203, %dma_start3A_204] : memref<10000x128xf32, #tpu.memory_space<vmem_shared>> -> memref<10000x128xf32, #tpu.memory_space<vmem_shared>>
        tpu.enqueue_indirect_dma source(%arg15 : memref<64x128xf32, #tpu.memory_space<vmem>>) target(%dma_start3A_205 : memref<10000x128xf32, #tpu.memory_space<vmem_shared>>) offsets(%arg11 : memref<64xi32, #tpu.memory_space<vmem>>) semaphore(%run_scoped3A : memref<!tpu.dma_semaphore, #tpu.memory_space<semaphore_mem>>) {add = true}
        %dma_wait3A_206 = arith.constant 0 : i32
        %dma_wait3A_207 = arith.constant 0 : i32
        %dma_wait3A_208 = tpu.memref_slice %arg8[%dma_wait3A_206, %dma_wait3A_207] : memref<10000x128xf32, #tpu.memory_space<vmem_shared>> -> memref<10000x128xf32, #tpu.memory_space<vmem_shared>>
        tpu.wait_indirect_dma semaphore(%run_scoped3A : memref<!tpu.dma_semaphore, #tpu.memory_space<semaphore_mem>>) src(%arg15 : memref<64x128xf32, #tpu.memory_space<vmem>>) dst(%dma_wait3A_208 : memref<10000x128xf32, #tpu.memory_space<vmem_shared>>)
        tpu.yield
      }) : () -> ()
      "tpu.region"() ({
        %run_scoped3A = tpu.sem_alloc : memref<!tpu.dma_semaphore, #tpu.memory_space<semaphore_mem>>
        %dma_start3A_203 = arith.constant 0 : i32
        %dma_start3A_204 = tpu.memref_slice %arg9[%dma_start3A_203] : memref<10000xf32, #tpu.memory_space<vmem_shared>> -> memref<10000xf32, #tpu.memory_space<vmem_shared>>
        tpu.enqueue_indirect_dma source(%arg21 : memref<64xf32, #tpu.memory_space<vmem>>) target(%dma_start3A_204 : memref<10000xf32, #tpu.memory_space<vmem_shared>>) offsets(%arg11 : memref<64xi32, #tpu.memory_space<vmem>>) semaphore(%run_scoped3A : memref<!tpu.dma_semaphore, #tpu.memory_space<semaphore_mem>>) {add = true}
        %dma_wait3A_205 = arith.constant 0 : i32
        %dma_wait3A_206 = tpu.memref_slice %arg9[%dma_wait3A_205] : memref<10000xf32, #tpu.memory_space<vmem_shared>> -> memref<10000xf32, #tpu.memory_space<vmem_shared>>
        tpu.wait_indirect_dma semaphore(%run_scoped3A : memref<!tpu.dma_semaphore, #tpu.memory_space<semaphore_mem>>) src(%arg21 : memref<64xf32, #tpu.memory_space<vmem>>) dst(%dma_wait3A_206 : memref<10000xf32, #tpu.memory_space<vmem_shared>>)
        tpu.yield
      }) : () -> ()
      %lt3A_144 = arith.constant 38 : i32
      %lt3A_145 = arith.cmpi slt, %scan3A_130, %lt3A_144 : i32
      %convert_element_type3A_146 = arith.extui %lt3A_145 : i1 to i32
      %cond3A_147 = arith.constant 0 : i32
      %cond3A_148 = arith.cmpi ne, %convert_element_type3A_146, %cond3A_147 : i32
      scf.if %cond3A_148 {
        %add3A_203 = arith.constant 4 : i32
        %add3A_204 = arith.addi %add3A_134, %add3A_203 : i32
        %mul3A_205 = arith.constant 64 : i32
        %mul3A_206 = arith.muli %add3A_204, %mul3A_205 : i32
        %add3A_207 = arith.addi %multiple_of3A, %mul3A_206 : i32
        %multiple_of3A_208 = tpu.assume_multiple %add3A_207, 8 : i32
        %dma_start3A_209 = tpu.memref_slice %arg4[%multiple_of3A_208] : memref<320000xi32, #tpu.memory_space<hbm>> -> memref<64xi32, #tpu.memory_space<hbm>>
        %dma_start3A_210 = tpu.memref_slice %arg4[%multiple_of3A_208] : memref<320000xi32, #tpu.memory_space<hbm>> -> memref<64xi32, #tpu.memory_space<hbm>>
        tpu.enqueue_dma source(%dma_start3A_210 : memref<64xi32, #tpu.memory_space<hbm>>) target(%arg11 : memref<64xi32, #tpu.memory_space<vmem>>) target_semaphore(%arg27 : memref<!tpu.dma_semaphore, #tpu.memory_space<semaphore_mem>>)
        %add3A_211 = arith.constant 4 : i32
        %add3A_212 = arith.addi %add3A_134, %add3A_211 : i32
        %mul3A_213 = arith.constant 64 : i32
        %mul3A_214 = arith.muli %add3A_212, %mul3A_213 : i32
        %dma_start3A_215 = tpu.memref_slice %arg10[%mul3A_214] : memref<10000xi32, #tpu.memory_space<vmem>> -> memref<64xi32, #tpu.memory_space<vmem>>
        %dma_start3A_216 = arith.constant 0 : i32
        %dma_start3A_217 = arith.constant 0 : i32
        %dma_start3A_218 = tpu.memref_slice %arg2[%dma_start3A_216, %dma_start3A_217] : memref<10000x128xf32, #tpu.memory_space<hbm>> -> memref<10000x128xf32, #tpu.memory_space<hbm>>
        tpu.enqueue_indirect_dma source(%dma_start3A_218 : memref<10000x128xf32, #tpu.memory_space<hbm>>) target(%arg15 : memref<64x128xf32, #tpu.memory_space<vmem>>) offsets(%dma_start3A_215 : memref<64xi32, #tpu.memory_space<vmem>>) semaphore(%arg23 : memref<!tpu.dma_semaphore, #tpu.memory_space<semaphore_mem>>)
      } else {
      }
      %mul3A_149 = arith.constant 4 : i32
      %mul3A_150 = arith.muli %scan3A_130, %mul3A_149 : i32
      %add3A_151 = arith.constant 1 : i32
      %add3A_152 = arith.addi %mul3A_150, %add3A_151 : i32
      %dma_wait3A_153 = arith.constant 0 : i32
      %dma_wait3A_154 = tpu.memref_slice %arg10[%dma_wait3A_153] : memref<10000xi32, #tpu.memory_space<vmem>> -> memref<64xi32, #tpu.memory_space<vmem>>
      %dma_wait3A_155 = arith.constant 0 : i32
      %dma_wait3A_156 = arith.constant 0 : i32
      %dma_wait3A_157 = tpu.memref_slice %arg2[%dma_wait3A_155, %dma_wait3A_156] : memref<10000x128xf32, #tpu.memory_space<hbm>> -> memref<10000x128xf32, #tpu.memory_space<hbm>>
      tpu.wait_indirect_dma semaphore(%arg24 : memref<!tpu.dma_semaphore, #tpu.memory_space<semaphore_mem>>) src(%dma_wait3A_157 : memref<10000x128xf32, #tpu.memory_space<hbm>>) dst(%arg16 : memref<64x128xf32, #tpu.memory_space<vmem>>)
      %dma_wait3A_158 = arith.constant 0 : i32
      %dma_wait3A_159 = tpu.memref_slice %arg4[%dma_wait3A_158] : memref<320000xi32, #tpu.memory_space<hbm>> -> memref<64xi32, #tpu.memory_space<hbm>>
      %dma_wait3A_160 = arith.constant 0 : i32
      %dma_wait3A_161 = tpu.memref_slice %arg4[%dma_wait3A_160] : memref<320000xi32, #tpu.memory_space<hbm>> -> memref<64xi32, #tpu.memory_space<hbm>>
      tpu.wait_dma2 semaphore(%arg28 : memref<!tpu.dma_semaphore, #tpu.memory_space<semaphore_mem>>) src(%dma_wait3A_161 : memref<64xi32, #tpu.memory_space<hbm>>) dst(%arg12 : memref<64xi32, #tpu.memory_space<vmem>>)
      "tpu.region"() ({
        %run_scoped3A = tpu.sem_alloc : memref<!tpu.dma_semaphore, #tpu.memory_space<semaphore_mem>>
        %dma_start3A_203 = arith.constant 0 : i32
        %dma_start3A_204 = arith.constant 0 : i32
        %dma_start3A_205 = tpu.memref_slice %arg8[%dma_start3A_203, %dma_start3A_204] : memref<10000x128xf32, #tpu.memory_space<vmem_shared>> -> memref<10000x128xf32, #tpu.memory_space<vmem_shared>>
        tpu.enqueue_indirect_dma source(%arg16 : memref<64x128xf32, #tpu.memory_space<vmem>>) target(%dma_start3A_205 : memref<10000x128xf32, #tpu.memory_space<vmem_shared>>) offsets(%arg12 : memref<64xi32, #tpu.memory_space<vmem>>) semaphore(%run_scoped3A : memref<!tpu.dma_semaphore, #tpu.memory_space<semaphore_mem>>) {add = true}
        %dma_wait3A_206 = arith.constant 0 : i32
        %dma_wait3A_207 = arith.constant 0 : i32
        %dma_wait3A_208 = tpu.memref_slice %arg8[%dma_wait3A_206, %dma_wait3A_207] : memref<10000x128xf32, #tpu.memory_space<vmem_shared>> -> memref<10000x128xf32, #tpu.memory_space<vmem_shared>>
        tpu.wait_indirect_dma semaphore(%run_scoped3A : memref<!tpu.dma_semaphore, #tpu.memory_space<semaphore_mem>>) src(%arg16 : memref<64x128xf32, #tpu.memory_space<vmem>>) dst(%dma_wait3A_208 : memref<10000x128xf32, #tpu.memory_space<vmem_shared>>)
        tpu.yield
      }) : () -> ()
      "tpu.region"() ({
        %run_scoped3A = tpu.sem_alloc : memref<!tpu.dma_semaphore, #tpu.memory_space<semaphore_mem>>
        %dma_start3A_203 = arith.constant 0 : i32
        %dma_start3A_204 = tpu.memref_slice %arg9[%dma_start3A_203] : memref<10000xf32, #tpu.memory_space<vmem_shared>> -> memref<10000xf32, #tpu.memory_space<vmem_shared>>
        tpu.enqueue_indirect_dma source(%arg21 : memref<64xf32, #tpu.memory_space<vmem>>) target(%dma_start3A_204 : memref<10000xf32, #tpu.memory_space<vmem_shared>>) offsets(%arg12 : memref<64xi32, #tpu.memory_space<vmem>>) semaphore(%run_scoped3A : memref<!tpu.dma_semaphore, #tpu.memory_space<semaphore_mem>>) {add = true}
        %dma_wait3A_205 = arith.constant 0 : i32
        %dma_wait3A_206 = tpu.memref_slice %arg9[%dma_wait3A_205] : memref<10000xf32, #tpu.memory_space<vmem_shared>> -> memref<10000xf32, #tpu.memory_space<vmem_shared>>
        tpu.wait_indirect_dma semaphore(%run_scoped3A : memref<!tpu.dma_semaphore, #tpu.memory_space<semaphore_mem>>) src(%arg21 : memref<64xf32, #tpu.memory_space<vmem>>) dst(%dma_wait3A_206 : memref<10000xf32, #tpu.memory_space<vmem_shared>>)
        tpu.yield
      }) : () -> ()
      %lt3A_162 = arith.constant 38 : i32
      %lt3A_163 = arith.cmpi slt, %scan3A_130, %lt3A_162 : i32
      %convert_element_type3A_164 = arith.extui %lt3A_163 : i1 to i32
      %cond3A_165 = arith.constant 0 : i32
      %cond3A_166 = arith.cmpi ne, %convert_element_type3A_164, %cond3A_165 : i32
      scf.if %cond3A_166 {
        %add3A_203 = arith.constant 4 : i32
        %add3A_204 = arith.addi %add3A_152, %add3A_203 : i32
        %mul3A_205 = arith.constant 64 : i32
        %mul3A_206 = arith.muli %add3A_204, %mul3A_205 : i32
        %add3A_207 = arith.addi %multiple_of3A, %mul3A_206 : i32
        %multiple_of3A_208 = tpu.assume_multiple %add3A_207, 8 : i32
        %dma_start3A_209 = tpu.memref_slice %arg4[%multiple_of3A_208] : memref<320000xi32, #tpu.memory_space<hbm>> -> memref<64xi32, #tpu.memory_space<hbm>>
        %dma_start3A_210 = tpu.memref_slice %arg4[%multiple_of3A_208] : memref<320000xi32, #tpu.memory_space<hbm>> -> memref<64xi32, #tpu.memory_space<hbm>>
        tpu.enqueue_dma source(%dma_start3A_210 : memref<64xi32, #tpu.memory_space<hbm>>) target(%arg12 : memref<64xi32, #tpu.memory_space<vmem>>) target_semaphore(%arg28 : memref<!tpu.dma_semaphore, #tpu.memory_space<semaphore_mem>>)
        %add3A_211 = arith.constant 4 : i32
        %add3A_212 = arith.addi %add3A_152, %add3A_211 : i32
        %mul3A_213 = arith.constant 64 : i32
        %mul3A_214 = arith.muli %add3A_212, %mul3A_213 : i32
        %dma_start3A_215 = tpu.memref_slice %arg10[%mul3A_214] : memref<10000xi32, #tpu.memory_space<vmem>> -> memref<64xi32, #tpu.memory_space<vmem>>
        %dma_start3A_216 = arith.constant 0 : i32
        %dma_start3A_217 = arith.constant 0 : i32
        %dma_start3A_218 = tpu.memref_slice %arg2[%dma_start3A_216, %dma_start3A_217] : memref<10000x128xf32, #tpu.memory_space<hbm>> -> memref<10000x128xf32, #tpu.memory_space<hbm>>
        tpu.enqueue_indirect_dma source(%dma_start3A_218 : memref<10000x128xf32, #tpu.memory_space<hbm>>) target(%arg16 : memref<64x128xf32, #tpu.memory_space<vmem>>) offsets(%dma_start3A_215 : memref<64xi32, #tpu.memory_space<vmem>>) semaphore(%arg24 : memref<!tpu.dma_semaphore, #tpu.memory_space<semaphore_mem>>)
      } else {
      }
      %mul3A_167 = arith.constant 4 : i32
      %mul3A_168 = arith.muli %scan3A_130, %mul3A_167 : i32
      %add3A_169 = arith.constant 2 : i32
      %add3A_170 = arith.addi %mul3A_168, %add3A_169 : i32
      %dma_wait3A_171 = arith.constant 0 : i32
      %dma_wait3A_172 = tpu.memref_slice %arg10[%dma_wait3A_171] : memref<10000xi32, #tpu.memory_space<vmem>> -> memref<64xi32, #tpu.memory_space<vmem>>
      %dma_wait3A_173 = arith.constant 0 : i32
      %dma_wait3A_174 = arith.constant 0 : i32
      %dma_wait3A_175 = tpu.memref_slice %arg2[%dma_wait3A_173, %dma_wait3A_174] : memref<10000x128xf32, #tpu.memory_space<hbm>> -> memref<10000x128xf32, #tpu.memory_space<hbm>>
      tpu.wait_indirect_dma semaphore(%arg25 : memref<!tpu.dma_semaphore, #tpu.memory_space<semaphore_mem>>) src(%dma_wait3A_175 : memref<10000x128xf32, #tpu.memory_space<hbm>>) dst(%arg17 : memref<64x128xf32, #tpu.memory_space<vmem>>)
      %dma_wait3A_176 = arith.constant 0 : i32
      %dma_wait3A_177 = tpu.memref_slice %arg4[%dma_wait3A_176] : memref<320000xi32, #tpu.memory_space<hbm>> -> memref<64xi32, #tpu.memory_space<hbm>>
      %dma_wait3A_178 = arith.constant 0 : i32
      %dma_wait3A_179 = tpu.memref_slice %arg4[%dma_wait3A_178] : memref<320000xi32, #tpu.memory_space<hbm>> -> memref<64xi32, #tpu.memory_space<hbm>>
      tpu.wait_dma2 semaphore(%arg29 : memref<!tpu.dma_semaphore, #tpu.memory_space<semaphore_mem>>) src(%dma_wait3A_179 : memref<64xi32, #tpu.memory_space<hbm>>) dst(%arg13 : memref<64xi32, #tpu.memory_space<vmem>>)
      "tpu.region"() ({
        %run_scoped3A = tpu.sem_alloc : memref<!tpu.dma_semaphore, #tpu.memory_space<semaphore_mem>>
        %dma_start3A_203 = arith.constant 0 : i32
        %dma_start3A_204 = arith.constant 0 : i32
        %dma_start3A_205 = tpu.memref_slice %arg8[%dma_start3A_203, %dma_start3A_204] : memref<10000x128xf32, #tpu.memory_space<vmem_shared>> -> memref<10000x128xf32, #tpu.memory_space<vmem_shared>>
        tpu.enqueue_indirect_dma source(%arg17 : memref<64x128xf32, #tpu.memory_space<vmem>>) target(%dma_start3A_205 : memref<10000x128xf32, #tpu.memory_space<vmem_shared>>) offsets(%arg13 : memref<64xi32, #tpu.memory_space<vmem>>) semaphore(%run_scoped3A : memref<!tpu.dma_semaphore, #tpu.memory_space<semaphore_mem>>) {add = true}
        %dma_wait3A_206 = arith.constant 0 : i32
        %dma_wait3A_207 = arith.constant 0 : i32
        %dma_wait3A_208 = tpu.memref_slice %arg8[%dma_wait3A_206, %dma_wait3A_207] : memref<10000x128xf32, #tpu.memory_space<vmem_shared>> -> memref<10000x128xf32, #tpu.memory_space<vmem_shared>>
        tpu.wait_indirect_dma semaphore(%run_scoped3A : memref<!tpu.dma_semaphore, #tpu.memory_space<semaphore_mem>>) src(%arg17 : memref<64x128xf32, #tpu.memory_space<vmem>>) dst(%dma_wait3A_208 : memref<10000x128xf32, #tpu.memory_space<vmem_shared>>)
        tpu.yield
      }) : () -> ()
      "tpu.region"() ({
        %run_scoped3A = tpu.sem_alloc : memref<!tpu.dma_semaphore, #tpu.memory_space<semaphore_mem>>
        %dma_start3A_203 = arith.constant 0 : i32
        %dma_start3A_204 = tpu.memref_slice %arg9[%dma_start3A_203] : memref<10000xf32, #tpu.memory_space<vmem_shared>> -> memref<10000xf32, #tpu.memory_space<vmem_shared>>
        tpu.enqueue_indirect_dma source(%arg21 : memref<64xf32, #tpu.memory_space<vmem>>) target(%dma_start3A_204 : memref<10000xf32, #tpu.memory_space<vmem_shared>>) offsets(%arg13 : memref<64xi32, #tpu.memory_space<vmem>>) semaphore(%run_scoped3A : memref<!tpu.dma_semaphore, #tpu.memory_space<semaphore_mem>>) {add = true}
        %dma_wait3A_205 = arith.constant 0 : i32
        %dma_wait3A_206 = tpu.memref_slice %arg9[%dma_wait3A_205] : memref<10000xf32, #tpu.memory_space<vmem_shared>> -> memref<10000xf32, #tpu.memory_space<vmem_shared>>
        tpu.wait_indirect_dma semaphore(%run_scoped3A : memref<!tpu.dma_semaphore, #tpu.memory_space<semaphore_mem>>) src(%arg21 : memref<64xf32, #tpu.memory_space<vmem>>) dst(%dma_wait3A_206 : memref<10000xf32, #tpu.memory_space<vmem_shared>>)
        tpu.yield
      }) : () -> ()
      %lt3A_180 = arith.constant 38 : i32
      %lt3A_181 = arith.cmpi slt, %scan3A_130, %lt3A_180 : i32
      %convert_element_type3A_182 = arith.extui %lt3A_181 : i1 to i32
      %cond3A_183 = arith.constant 0 : i32
      %cond3A_184 = arith.cmpi ne, %convert_element_type3A_182, %cond3A_183 : i32
      scf.if %cond3A_184 {
        %add3A_203 = arith.constant 4 : i32
        %add3A_204 = arith.addi %add3A_170, %add3A_203 : i32
        %mul3A_205 = arith.constant 64 : i32
        %mul3A_206 = arith.muli %add3A_204, %mul3A_205 : i32
        %add3A_207 = arith.addi %multiple_of3A, %mul3A_206 : i32
        %multiple_of3A_208 = tpu.assume_multiple %add3A_207, 8 : i32
        %dma_start3A_209 = tpu.memref_slice %arg4[%multiple_of3A_208] : memref<320000xi32, #tpu.memory_space<hbm>> -> memref<64xi32, #tpu.memory_space<hbm>>
        %dma_start3A_210 = tpu.memref_slice %arg4[%multiple_of3A_208] : memref<320000xi32, #tpu.memory_space<hbm>> -> memref<64xi32, #tpu.memory_space<hbm>>
        tpu.enqueue_dma source(%dma_start3A_210 : memref<64xi32, #tpu.memory_space<hbm>>) target(%arg13 : memref<64xi32, #tpu.memory_space<vmem>>) target_semaphore(%arg29 : memref<!tpu.dma_semaphore, #tpu.memory_space<semaphore_mem>>)
        %add3A_211 = arith.constant 4 : i32
        %add3A_212 = arith.addi %add3A_170, %add3A_211 : i32
        %mul3A_213 = arith.constant 64 : i32
        %mul3A_214 = arith.muli %add3A_212, %mul3A_213 : i32
        %dma_start3A_215 = tpu.memref_slice %arg10[%mul3A_214] : memref<10000xi32, #tpu.memory_space<vmem>> -> memref<64xi32, #tpu.memory_space<vmem>>
        %dma_start3A_216 = arith.constant 0 : i32
        %dma_start3A_217 = arith.constant 0 : i32
        %dma_start3A_218 = tpu.memref_slice %arg2[%dma_start3A_216, %dma_start3A_217] : memref<10000x128xf32, #tpu.memory_space<hbm>> -> memref<10000x128xf32, #tpu.memory_space<hbm>>
        tpu.enqueue_indirect_dma source(%dma_start3A_218 : memref<10000x128xf32, #tpu.memory_space<hbm>>) target(%arg17 : memref<64x128xf32, #tpu.memory_space<vmem>>) offsets(%dma_start3A_215 : memref<64xi32, #tpu.memory_space<vmem>>) semaphore(%arg25 : memref<!tpu.dma_semaphore, #tpu.memory_space<semaphore_mem>>)
      } else {
      }
      %mul3A_185 = arith.constant 4 : i32
      %mul3A_186 = arith.muli %scan3A_130, %mul3A_185 : i32
      %add3A_187 = arith.constant 3 : i32
      %add3A_188 = arith.addi %mul3A_186, %add3A_187 : i32
      %dma_wait3A_189 = arith.constant 0 : i32
      %dma_wait3A_190 = tpu.memref_slice %arg10[%dma_wait3A_189] : memref<10000xi32, #tpu.memory_space<vmem>> -> memref<64xi32, #tpu.memory_space<vmem>>
      %dma_wait3A_191 = arith.constant 0 : i32
      %dma_wait3A_192 = arith.constant 0 : i32
      %dma_wait3A_193 = tpu.memref_slice %arg2[%dma_wait3A_191, %dma_wait3A_192] : memref<10000x128xf32, #tpu.memory_space<hbm>> -> memref<10000x128xf32, #tpu.memory_space<hbm>>
      tpu.wait_indirect_dma semaphore(%arg26 : memref<!tpu.dma_semaphore, #tpu.memory_space<semaphore_mem>>) src(%dma_wait3A_193 : memref<10000x128xf32, #tpu.memory_space<hbm>>) dst(%arg18 : memref<64x128xf32, #tpu.memory_space<vmem>>)
      %dma_wait3A_194 = arith.constant 0 : i32
      %dma_wait3A_195 = tpu.memref_slice %arg4[%dma_wait3A_194] : memref<320000xi32, #tpu.memory_space<hbm>> -> memref<64xi32, #tpu.memory_space<hbm>>
      %dma_wait3A_196 = arith.constant 0 : i32
      %dma_wait3A_197 = tpu.memref_slice %arg4[%dma_wait3A_196] : memref<320000xi32, #tpu.memory_space<hbm>> -> memref<64xi32, #tpu.memory_space<hbm>>
      tpu.wait_dma2 semaphore(%arg30 : memref<!tpu.dma_semaphore, #tpu.memory_space<semaphore_mem>>) src(%dma_wait3A_197 : memref<64xi32, #tpu.memory_space<hbm>>) dst(%arg14 : memref<64xi32, #tpu.memory_space<vmem>>)
      "tpu.region"() ({
        %run_scoped3A = tpu.sem_alloc : memref<!tpu.dma_semaphore, #tpu.memory_space<semaphore_mem>>
        %dma_start3A_203 = arith.constant 0 : i32
        %dma_start3A_204 = arith.constant 0 : i32
        %dma_start3A_205 = tpu.memref_slice %arg8[%dma_start3A_203, %dma_start3A_204] : memref<10000x128xf32, #tpu.memory_space<vmem_shared>> -> memref<10000x128xf32, #tpu.memory_space<vmem_shared>>
        tpu.enqueue_indirect_dma source(%arg18 : memref<64x128xf32, #tpu.memory_space<vmem>>) target(%dma_start3A_205 : memref<10000x128xf32, #tpu.memory_space<vmem_shared>>) offsets(%arg14 : memref<64xi32, #tpu.memory_space<vmem>>) semaphore(%run_scoped3A : memref<!tpu.dma_semaphore, #tpu.memory_space<semaphore_mem>>) {add = true}
        %dma_wait3A_206 = arith.constant 0 : i32
        %dma_wait3A_207 = arith.constant 0 : i32
        %dma_wait3A_208 = tpu.memref_slice %arg8[%dma_wait3A_206, %dma_wait3A_207] : memref<10000x128xf32, #tpu.memory_space<vmem_shared>> -> memref<10000x128xf32, #tpu.memory_space<vmem_shared>>
        tpu.wait_indirect_dma semaphore(%run_scoped3A : memref<!tpu.dma_semaphore, #tpu.memory_space<semaphore_mem>>) src(%arg18 : memref<64x128xf32, #tpu.memory_space<vmem>>) dst(%dma_wait3A_208 : memref<10000x128xf32, #tpu.memory_space<vmem_shared>>)
        tpu.yield
      }) : () -> ()
      "tpu.region"() ({
        %run_scoped3A = tpu.sem_alloc : memref<!tpu.dma_semaphore, #tpu.memory_space<semaphore_mem>>
        %dma_start3A_203 = arith.constant 0 : i32
        %dma_start3A_204 = tpu.memref_slice %arg9[%dma_start3A_203] : memref<10000xf32, #tpu.memory_space<vmem_shared>> -> memref<10000xf32, #tpu.memory_space<vmem_shared>>
        tpu.enqueue_indirect_dma source(%arg21 : memref<64xf32, #tpu.memory_space<vmem>>) target(%dma_start3A_204 : memref<10000xf32, #tpu.memory_space<vmem_shared>>) offsets(%arg14 : memref<64xi32, #tpu.memory_space<vmem>>) semaphore(%run_scoped3A : memref<!tpu.dma_semaphore, #tpu.memory_space<semaphore_mem>>) {add = true}
        %dma_wait3A_205 = arith.constant 0 : i32
        %dma_wait3A_206 = tpu.memref_slice %arg9[%dma_wait3A_205] : memref<10000xf32, #tpu.memory_space<vmem_shared>> -> memref<10000xf32, #tpu.memory_space<vmem_shared>>
        tpu.wait_indirect_dma semaphore(%run_scoped3A : memref<!tpu.dma_semaphore, #tpu.memory_space<semaphore_mem>>) src(%arg21 : memref<64xf32, #tpu.memory_space<vmem>>) dst(%dma_wait3A_206 : memref<10000xf32, #tpu.memory_space<vmem_shared>>)
        tpu.yield
      }) : () -> ()
      %lt3A_198 = arith.constant 38 : i32
      %lt3A_199 = arith.cmpi slt, %scan3A_130, %lt3A_198 : i32
      %convert_element_type3A_200 = arith.extui %lt3A_199 : i1 to i32
      %cond3A_201 = arith.constant 0 : i32
      %cond3A_202 = arith.cmpi ne, %convert_element_type3A_200, %cond3A_201 : i32
      scf.if %cond3A_202 {
        %add3A_203 = arith.constant 4 : i32
        %add3A_204 = arith.addi %add3A_188, %add3A_203 : i32
        %mul3A_205 = arith.constant 64 : i32
        %mul3A_206 = arith.muli %add3A_204, %mul3A_205 : i32
        %add3A_207 = arith.addi %multiple_of3A, %mul3A_206 : i32
        %multiple_of3A_208 = tpu.assume_multiple %add3A_207, 8 : i32
        %dma_start3A_209 = tpu.memref_slice %arg4[%multiple_of3A_208] : memref<320000xi32, #tpu.memory_space<hbm>> -> memref<64xi32, #tpu.memory_space<hbm>>
        %dma_start3A_210 = tpu.memref_slice %arg4[%multiple_of3A_208] : memref<320000xi32, #tpu.memory_space<hbm>> -> memref<64xi32, #tpu.memory_space<hbm>>
        tpu.enqueue_dma source(%dma_start3A_210 : memref<64xi32, #tpu.memory_space<hbm>>) target(%arg14 : memref<64xi32, #tpu.memory_space<vmem>>) target_semaphore(%arg30 : memref<!tpu.dma_semaphore, #tpu.memory_space<semaphore_mem>>)
        %add3A_211 = arith.constant 4 : i32
        %add3A_212 = arith.addi %add3A_188, %add3A_211 : i32
        %mul3A_213 = arith.constant 64 : i32
        %mul3A_214 = arith.muli %add3A_212, %mul3A_213 : i32
        %dma_start3A_215 = tpu.memref_slice %arg10[%mul3A_214] : memref<10000xi32, #tpu.memory_space<vmem>> -> memref<64xi32, #tpu.memory_space<vmem>>
        %dma_start3A_216 = arith.constant 0 : i32
        %dma_start3A_217 = arith.constant 0 : i32
        %dma_start3A_218 = tpu.memref_slice %arg2[%dma_start3A_216, %dma_start3A_217] : memref<10000x128xf32, #tpu.memory_space<hbm>> -> memref<10000x128xf32, #tpu.memory_space<hbm>>
        tpu.enqueue_indirect_dma source(%dma_start3A_218 : memref<10000x128xf32, #tpu.memory_space<hbm>>) target(%arg18 : memref<64x128xf32, #tpu.memory_space<vmem>>) offsets(%dma_start3A_215 : memref<64xi32, #tpu.memory_space<vmem>>) semaphore(%arg26 : memref<!tpu.dma_semaphore, #tpu.memory_space<semaphore_mem>>)
      } else {
      }
    }
    %scan3A_93 = arith.constant 39 : i32
    %add3A_94 = arith.constant 9984 : i32
    %add3A_95 = arith.addi %multiple_of3A, %add3A_94 : i32
    %multiple_of3A_96 = tpu.assume_multiple %add3A_95, 8 : i32
    "tpu.region"() ({
      %run_scoped3A = tpu.sem_alloc : memref<!tpu.dma_semaphore, #tpu.memory_space<semaphore_mem>>
      %dma_start3A_130 = tpu.memref_slice %arg4[%multiple_of3A_96] : memref<320000xi32, #tpu.memory_space<hbm>> -> memref<16xi32, #tpu.memory_space<hbm>>
      %dma_start3A_131 = tpu.memref_slice %arg4[%multiple_of3A_96] : memref<320000xi32, #tpu.memory_space<hbm>> -> memref<16xi32, #tpu.memory_space<hbm>>
      tpu.enqueue_dma source(%dma_start3A_131 : memref<16xi32, #tpu.memory_space<hbm>>) target(%arg19 : memref<16xi32, #tpu.memory_space<vmem>>) target_semaphore(%run_scoped3A : memref<!tpu.dma_semaphore, #tpu.memory_space<semaphore_mem>>)
      %dma_wait3A_132 = tpu.memref_slice %arg4[%multiple_of3A_96] : memref<320000xi32, #tpu.memory_space<hbm>> -> memref<16xi32, #tpu.memory_space<hbm>>
      %dma_wait3A_133 = tpu.memref_slice %arg4[%multiple_of3A_96] : memref<320000xi32, #tpu.memory_space<hbm>> -> memref<16xi32, #tpu.memory_space<hbm>>
      tpu.wait_dma2 semaphore(%run_scoped3A : memref<!tpu.dma_semaphore, #tpu.memory_space<semaphore_mem>>) src(%dma_wait3A_133 : memref<16xi32, #tpu.memory_space<hbm>>) dst(%arg19 : memref<16xi32, #tpu.memory_space<vmem>>)
      tpu.yield
    }) : () -> ()
    %dma_start3A_97 = arith.constant 9984 : i32
    %dma_start3A_98 = tpu.memref_slice %arg10[%dma_start3A_97] : memref<10000xi32, #tpu.memory_space<vmem>> -> memref<16xi32, #tpu.memory_space<vmem>>
    %dma_start3A_99 = arith.constant 0 : i32
    %dma_start3A_100 = arith.constant 0 : i32
    %dma_start3A_101 = tpu.memref_slice %arg2[%dma_start3A_99, %dma_start3A_100] : memref<10000x128xf32, #tpu.memory_space<hbm>> -> memref<10000x128xf32, #tpu.memory_space<hbm>>
    tpu.enqueue_indirect_dma source(%dma_start3A_101 : memref<10000x128xf32, #tpu.memory_space<hbm>>) target(%arg20 : memref<16x128xf32, #tpu.memory_space<vmem>>) offsets(%dma_start3A_98 : memref<16xi32, #tpu.memory_space<vmem>>) semaphore(%arg23 : memref<!tpu.dma_semaphore, #tpu.memory_space<semaphore_mem>>)
    %dma_wait3A = arith.constant 9984 : i32
    %dma_wait3A_102 = tpu.memref_slice %arg10[%dma_wait3A] : memref<10000xi32, #tpu.memory_space<vmem>> -> memref<16xi32, #tpu.memory_space<vmem>>
    %dma_wait3A_103 = arith.constant 0 : i32
    %dma_wait3A_104 = arith.constant 0 : i32
    %dma_wait3A_105 = tpu.memref_slice %arg2[%dma_wait3A_103, %dma_wait3A_104] : memref<10000x128xf32, #tpu.memory_space<hbm>> -> memref<10000x128xf32, #tpu.memory_space<hbm>>
    tpu.wait_indirect_dma semaphore(%arg23 : memref<!tpu.dma_semaphore, #tpu.memory_space<semaphore_mem>>) src(%dma_wait3A_105 : memref<10000x128xf32, #tpu.memory_space<hbm>>) dst(%arg20 : memref<16x128xf32, #tpu.memory_space<vmem>>)
    "tpu.region"() ({
      %run_scoped3A = tpu.sem_alloc : memref<!tpu.dma_semaphore, #tpu.memory_space<semaphore_mem>>
      %dma_start3A_130 = arith.constant 0 : i32
      %dma_start3A_131 = arith.constant 0 : i32
      %dma_start3A_132 = tpu.memref_slice %arg8[%dma_start3A_130, %dma_start3A_131] : memref<10000x128xf32, #tpu.memory_space<vmem_shared>> -> memref<10000x128xf32, #tpu.memory_space<vmem_shared>>
      tpu.enqueue_indirect_dma source(%arg20 : memref<16x128xf32, #tpu.memory_space<vmem>>) target(%dma_start3A_132 : memref<10000x128xf32, #tpu.memory_space<vmem_shared>>) offsets(%arg19 : memref<16xi32, #tpu.memory_space<vmem>>) semaphore(%run_scoped3A : memref<!tpu.dma_semaphore, #tpu.memory_space<semaphore_mem>>) {add = true}
      %dma_wait3A_133 = arith.constant 0 : i32
      %dma_wait3A_134 = arith.constant 0 : i32
      %dma_wait3A_135 = tpu.memref_slice %arg8[%dma_wait3A_133, %dma_wait3A_134] : memref<10000x128xf32, #tpu.memory_space<vmem_shared>> -> memref<10000x128xf32, #tpu.memory_space<vmem_shared>>
      tpu.wait_indirect_dma semaphore(%run_scoped3A : memref<!tpu.dma_semaphore, #tpu.memory_space<semaphore_mem>>) src(%arg20 : memref<16x128xf32, #tpu.memory_space<vmem>>) dst(%dma_wait3A_135 : memref<10000x128xf32, #tpu.memory_space<vmem_shared>>)
      tpu.yield
    }) : () -> ()
    "tpu.region"() ({
      %run_scoped3A = tpu.sem_alloc : memref<!tpu.dma_semaphore, #tpu.memory_space<semaphore_mem>>
      %dma_start3A_130 = arith.constant 0 : i32
      %dma_start3A_131 = tpu.memref_slice %arg21[%dma_start3A_130] : memref<64xf32, #tpu.memory_space<vmem>> -> memref<16xf32, #tpu.memory_space<vmem>>
      %dma_start3A_132 = arith.constant 0 : i32
      %dma_start3A_133 = tpu.memref_slice %arg9[%dma_start3A_132] : memref<10000xf32, #tpu.memory_space<vmem_shared>> -> memref<10000xf32, #tpu.memory_space<vmem_shared>>
      tpu.enqueue_indirect_dma source(%dma_start3A_131 : memref<16xf32, #tpu.memory_space<vmem>>) target(%dma_start3A_133 : memref<10000xf32, #tpu.memory_space<vmem_shared>>) offsets(%arg19 : memref<16xi32, #tpu.memory_space<vmem>>) semaphore(%run_scoped3A : memref<!tpu.dma_semaphore, #tpu.memory_space<semaphore_mem>>) {add = true}
      %dma_wait3A_134 = arith.constant 0 : i32
      %dma_wait3A_135 = tpu.memref_slice %arg21[%dma_wait3A_134] : memref<64xf32, #tpu.memory_space<vmem>> -> memref<16xf32, #tpu.memory_space<vmem>>
      %dma_wait3A_136 = arith.constant 0 : i32
      %dma_wait3A_137 = tpu.memref_slice %arg9[%dma_wait3A_136] : memref<10000xf32, #tpu.memory_space<vmem_shared>> -> memref<10000xf32, #tpu.memory_space<vmem_shared>>
      tpu.wait_indirect_dma semaphore(%run_scoped3A : memref<!tpu.dma_semaphore, #tpu.memory_space<semaphore_mem>>) src(%dma_wait3A_135 : memref<16xf32, #tpu.memory_space<vmem>>) dst(%dma_wait3A_137 : memref<10000xf32, #tpu.memory_space<vmem_shared>>)
      tpu.yield
    }) : () -> ()
    %barrier3A_106 = arith.constant 0 : index
    tpu.barrier barrier_id(%barrier3A_106)
    %lt3A_107 = arith.constant 15 : i32
    %lt3A_108 = arith.cmpi slt, %arg1, %lt3A_107 : i32
    %convert_element_type3A_109 = arith.extui %lt3A_108 : i1 to i32
    %cond3A_110 = arith.constant 0 : i32
    %cond3A_111 = arith.cmpi ne, %convert_element_type3A_109, %cond3A_110 : i32
    scf.if %cond3A_111 {
      "tpu.region"() ({
        %run_scoped3A = tpu.sem_alloc : memref<!tpu.dma_semaphore, #tpu.memory_space<semaphore_mem>>
        %dma_start3A_130 = arith.constant 0 : i32
        %dma_start3A_131 = tpu.memref_slice %arg6[%arg0, %multiple_of3A_5, %dma_start3A_130] : memref<2x10000x128xf32, #tpu.memory_space<hbm>> -> memref<1x624x128xf32, #tpu.memory_space<hbm>>
        %dma_start3A_132 = tpu.memref_squeeze %dma_start3A_131 : memref<1x624x128xf32, #tpu.memory_space<hbm>> -> memref<624x128xf32, #tpu.memory_space<hbm>>
        %dma_start3A_133 = arith.constant 0 : i32
        %dma_start3A_134 = tpu.memref_slice %arg8[%multiple_of3A_5, %dma_start3A_133] : memref<10000x128xf32, #tpu.memory_space<vmem_shared>> -> memref<624x128xf32, #tpu.memory_space<vmem_shared>>
        tpu.enqueue_dma source(%dma_start3A_134 : memref<624x128xf32, #tpu.memory_space<vmem_shared>>) target(%dma_start3A_132 : memref<624x128xf32, #tpu.memory_space<hbm>>) target_semaphore(%run_scoped3A : memref<!tpu.dma_semaphore, #tpu.memory_space<semaphore_mem>>)
        %dma_wait3A_135 = arith.constant 0 : i32
        %dma_wait3A_136 = tpu.memref_slice %arg6[%arg0, %multiple_of3A_5, %dma_wait3A_135] : memref<2x10000x128xf32, #tpu.memory_space<hbm>> -> memref<1x624x128xf32, #tpu.memory_space<hbm>>
        %dma_wait3A_137 = tpu.memref_squeeze %dma_wait3A_136 : memref<1x624x128xf32, #tpu.memory_space<hbm>> -> memref<624x128xf32, #tpu.memory_space<hbm>>
        %dma_wait3A_138 = arith.constant 0 : i32
        %dma_wait3A_139 = tpu.memref_slice %arg8[%multiple_of3A_5, %dma_wait3A_138] : memref<10000x128xf32, #tpu.memory_space<vmem_shared>> -> memref<624x128xf32, #tpu.memory_space<vmem_shared>>
        tpu.wait_dma2 semaphore(%run_scoped3A : memref<!tpu.dma_semaphore, #tpu.memory_space<semaphore_mem>>) src(%dma_wait3A_139 : memref<624x128xf32, #tpu.memory_space<vmem_shared>>) dst(%dma_wait3A_137 : memref<624x128xf32, #tpu.memory_space<hbm>>)
        tpu.yield
      }) : () -> ()
    } else {
    }
    %eq3A_112 = arith.constant 15 : i32
    %eq3A_113 = arith.cmpi eq, %arg1, %eq3A_112 : i32
    %convert_element_type3A_114 = arith.extui %eq3A_113 : i1 to i32
    %cond3A_115 = arith.constant 0 : i32
    %cond3A_116 = arith.cmpi ne, %convert_element_type3A_114, %cond3A_115 : i32
    scf.if %cond3A_116 {
      "tpu.region"() ({
        %run_scoped3A = tpu.sem_alloc : memref<!tpu.dma_semaphore, #tpu.memory_space<semaphore_mem>>
        %dma_start3A_130 = arith.constant 9360 : i32
        %dma_start3A_131 = arith.constant 0 : i32
        %dma_start3A_132 = tpu.memref_slice %arg6[%arg0, %dma_start3A_130, %dma_start3A_131] : memref<2x10000x128xf32, #tpu.memory_space<hbm>> -> memref<1x640x128xf32, #tpu.memory_space<hbm>>
        %dma_start3A_133 = tpu.memref_squeeze %dma_start3A_132 : memref<1x640x128xf32, #tpu.memory_space<hbm>> -> memref<640x128xf32, #tpu.memory_space<hbm>>
        %dma_start3A_134 = arith.constant 9360 : i32
        %dma_start3A_135 = arith.constant 0 : i32
        %dma_start3A_136 = tpu.memref_slice %arg8[%dma_start3A_134, %dma_start3A_135] : memref<10000x128xf32, #tpu.memory_space<vmem_shared>> -> memref<640x128xf32, #tpu.memory_space<vmem_shared>>
        tpu.enqueue_dma source(%dma_start3A_136 : memref<640x128xf32, #tpu.memory_space<vmem_shared>>) target(%dma_start3A_133 : memref<640x128xf32, #tpu.memory_space<hbm>>) target_semaphore(%run_scoped3A : memref<!tpu.dma_semaphore, #tpu.memory_space<semaphore_mem>>)
        %dma_wait3A_137 = arith.constant 9360 : i32
        %dma_wait3A_138 = arith.constant 0 : i32
        %dma_wait3A_139 = tpu.memref_slice %arg6[%arg0, %dma_wait3A_137, %dma_wait3A_138] : memref<2x10000x128xf32, #tpu.memory_space<hbm>> -> memref<1x640x128xf32, #tpu.memory_space<hbm>>
        %dma_wait3A_140 = tpu.memref_squeeze %dma_wait3A_139 : memref<1x640x128xf32, #tpu.memory_space<hbm>> -> memref<640x128xf32, #tpu.memory_space<hbm>>
        %dma_wait3A_141 = arith.constant 9360 : i32
        %dma_wait3A_142 = arith.constant 0 : i32
        %dma_wait3A_143 = tpu.memref_slice %arg8[%dma_wait3A_141, %dma_wait3A_142] : memref<10000x128xf32, #tpu.memory_space<vmem_shared>> -> memref<640x128xf32, #tpu.memory_space<vmem_shared>>
        tpu.wait_dma2 semaphore(%run_scoped3A : memref<!tpu.dma_semaphore, #tpu.memory_space<semaphore_mem>>) src(%dma_wait3A_143 : memref<640x128xf32, #tpu.memory_space<vmem_shared>>) dst(%dma_wait3A_140 : memref<640x128xf32, #tpu.memory_space<hbm>>)
        tpu.yield
      }) : () -> ()
    } else {
    }
    %mul3A_117 = arith.constant 10000 : i32
    %mul3A_118 = arith.muli %arg0, %mul3A_117 : i32
    %multiple_of3A_119 = tpu.assume_multiple %mul3A_118, 8 : i32
    %lt3A_120 = arith.constant 15 : i32
    %lt3A_121 = arith.cmpi slt, %arg1, %lt3A_120 : i32
    %convert_element_type3A_122 = arith.extui %lt3A_121 : i1 to i32
    %cond3A_123 = arith.constant 0 : i32
    %cond3A_124 = arith.cmpi ne, %convert_element_type3A_122, %cond3A_123 : i32
    scf.if %cond3A_124 {
      "tpu.region"() ({
        %run_scoped3A = tpu.sem_alloc : memref<!tpu.dma_semaphore, #tpu.memory_space<semaphore_mem>>
        %dma_start3A_131 = arith.constant 0 : i32
        %dma_start3A_132 = tpu.memref_slice %arg22[%dma_start3A_131] : memref<640xf32, #tpu.memory_space<vmem>> -> memref<624xf32, #tpu.memory_space<vmem>>
        %dma_start3A_133 = tpu.memref_slice %arg9[%multiple_of3A_5] : memref<10000xf32, #tpu.memory_space<vmem_shared>> -> memref<624xf32, #tpu.memory_space<vmem_shared>>
        %dma_start3A_134 = arith.constant 0 : i32
        %dma_start3A_135 = tpu.memref_slice %arg22[%dma_start3A_134] : memref<640xf32, #tpu.memory_space<vmem>> -> memref<624xf32, #tpu.memory_space<vmem>>
        %dma_start3A_136 = tpu.memref_slice %arg9[%multiple_of3A_5] : memref<10000xf32, #tpu.memory_space<vmem_shared>> -> memref<624xf32, #tpu.memory_space<vmem_shared>>
        tpu.enqueue_dma source(%dma_start3A_136 : memref<624xf32, #tpu.memory_space<vmem_shared>>) target(%dma_start3A_135 : memref<624xf32, #tpu.memory_space<vmem>>) target_semaphore(%run_scoped3A : memref<!tpu.dma_semaphore, #tpu.memory_space<semaphore_mem>>)
        %dma_wait3A_137 = arith.constant 0 : i32
        %dma_wait3A_138 = tpu.memref_slice %arg22[%dma_wait3A_137] : memref<640xf32, #tpu.memory_space<vmem>> -> memref<624xf32, #tpu.memory_space<vmem>>
        %dma_wait3A_139 = tpu.memref_slice %arg9[%multiple_of3A_5] : memref<10000xf32, #tpu.memory_space<vmem_shared>> -> memref<624xf32, #tpu.memory_space<vmem_shared>>
        %dma_wait3A_140 = arith.constant 0 : i32
        %dma_wait3A_141 = tpu.memref_slice %arg22[%dma_wait3A_140] : memref<640xf32, #tpu.memory_space<vmem>> -> memref<624xf32, #tpu.memory_space<vmem>>
        %dma_wait3A_142 = tpu.memref_slice %arg9[%multiple_of3A_5] : memref<10000xf32, #tpu.memory_space<vmem_shared>> -> memref<624xf32, #tpu.memory_space<vmem_shared>>
        tpu.wait_dma2 semaphore(%run_scoped3A : memref<!tpu.dma_semaphore, #tpu.memory_space<semaphore_mem>>) src(%dma_wait3A_142 : memref<624xf32, #tpu.memory_space<vmem_shared>>) dst(%dma_wait3A_141 : memref<624xf32, #tpu.memory_space<vmem>>)
        tpu.yield
      }) : () -> ()
      %add3A_130 = arith.addi %multiple_of3A_119, %multiple_of3A_5 : i32
      "tpu.region"() ({
        %run_scoped3A = tpu.sem_alloc : memref<!tpu.dma_semaphore, #tpu.memory_space<semaphore_mem>>
        %dma_start3A_131 = arith.constant 0 : i32
        %dma_start3A_132 = tpu.memref_slice %arg22[%dma_start3A_131] : memref<640xf32, #tpu.memory_space<vmem>> -> memref<624xf32, #tpu.memory_space<vmem>>
        %dma_start3A_133 = tpu.memref_slice %arg7[%add3A_130] : memref<20000xf32, #tpu.memory_space<hbm>> -> memref<624xf32, #tpu.memory_space<hbm>>
        %dma_start3A_134 = tpu.memref_slice %arg7[%add3A_130] : memref<20000xf32, #tpu.memory_space<hbm>> -> memref<624xf32, #tpu.memory_space<hbm>>
        %dma_start3A_135 = arith.constant 0 : i32
        %dma_start3A_136 = tpu.memref_slice %arg22[%dma_start3A_135] : memref<640xf32, #tpu.memory_space<vmem>> -> memref<624xf32, #tpu.memory_space<vmem>>
        tpu.enqueue_dma source(%dma_start3A_136 : memref<624xf32, #tpu.memory_space<vmem>>) target(%dma_start3A_134 : memref<624xf32, #tpu.memory_space<hbm>>) target_semaphore(%run_scoped3A : memref<!tpu.dma_semaphore, #tpu.memory_space<semaphore_mem>>)
        %dma_wait3A_137 = arith.constant 0 : i32
        %dma_wait3A_138 = tpu.memref_slice %arg22[%dma_wait3A_137] : memref<640xf32, #tpu.memory_space<vmem>> -> memref<624xf32, #tpu.memory_space<vmem>>
        %dma_wait3A_139 = tpu.memref_slice %arg7[%add3A_130] : memref<20000xf32, #tpu.memory_space<hbm>> -> memref<624xf32, #tpu.memory_space<hbm>>
        %dma_wait3A_140 = tpu.memref_slice %arg7[%add3A_130] : memref<20000xf32, #tpu.memory_space<hbm>> -> memref<624xf32, #tpu.memory_space<hbm>>
        %dma_wait3A_141 = arith.constant 0 : i32
        %dma_wait3A_142 = tpu.memref_slice %arg22[%dma_wait3A_141] : memref<640xf32, #tpu.memory_space<vmem>> -> memref<624xf32, #tpu.memory_space<vmem>>
        tpu.wait_dma2 semaphore(%run_scoped3A : memref<!tpu.dma_semaphore, #tpu.memory_space<semaphore_mem>>) src(%dma_wait3A_142 : memref<624xf32, #tpu.memory_space<vmem>>) dst(%dma_wait3A_140 : memref<624xf32, #tpu.memory_space<hbm>>)
        tpu.yield
      }) : () -> ()
    } else {
    }
    %eq3A_125 = arith.constant 15 : i32
    %eq3A_126 = arith.cmpi eq, %arg1, %eq3A_125 : i32
    %convert_element_type3A_127 = arith.extui %eq3A_126 : i1 to i32
    %cond3A_128 = arith.constant 0 : i32
    %cond3A_129 = arith.cmpi ne, %convert_element_type3A_127, %cond3A_128 : i32
    scf.if %cond3A_129 {
      "tpu.region"() ({
        %run_scoped3A = tpu.sem_alloc : memref<!tpu.dma_semaphore, #tpu.memory_space<semaphore_mem>>
        %dma_start3A_132 = arith.constant 9360 : i32
        %dma_start3A_133 = tpu.memref_slice %arg9[%dma_start3A_132] : memref<10000xf32, #tpu.memory_space<vmem_shared>> -> memref<640xf32, #tpu.memory_space<vmem_shared>>
        %dma_start3A_134 = arith.constant 9360 : i32
        %dma_start3A_135 = tpu.memref_slice %arg9[%dma_start3A_134] : memref<10000xf32, #tpu.memory_space<vmem_shared>> -> memref<640xf32, #tpu.memory_space<vmem_shared>>
        tpu.enqueue_dma source(%dma_start3A_135 : memref<640xf32, #tpu.memory_space<vmem_shared>>) target(%arg22 : memref<640xf32, #tpu.memory_space<vmem>>) target_semaphore(%run_scoped3A : memref<!tpu.dma_semaphore, #tpu.memory_space<semaphore_mem>>)
        %dma_wait3A_136 = arith.constant 9360 : i32
        %dma_wait3A_137 = tpu.memref_slice %arg9[%dma_wait3A_136] : memref<10000xf32, #tpu.memory_space<vmem_shared>> -> memref<640xf32, #tpu.memory_space<vmem_shared>>
        %dma_wait3A_138 = arith.constant 9360 : i32
        %dma_wait3A_139 = tpu.memref_slice %arg9[%dma_wait3A_138] : memref<10000xf32, #tpu.memory_space<vmem_shared>> -> memref<640xf32, #tpu.memory_space<vmem_shared>>
        tpu.wait_dma2 semaphore(%run_scoped3A : memref<!tpu.dma_semaphore, #tpu.memory_space<semaphore_mem>>) src(%dma_wait3A_139 : memref<640xf32, #tpu.memory_space<vmem_shared>>) dst(%arg22 : memref<640xf32, #tpu.memory_space<vmem>>)
        tpu.yield
      }) : () -> ()
      %add3A_130 = arith.constant 9360 : i32
      %add3A_131 = arith.addi %multiple_of3A_119, %add3A_130 : i32
      "tpu.region"() ({
        %run_scoped3A = tpu.sem_alloc : memref<!tpu.dma_semaphore, #tpu.memory_space<semaphore_mem>>
        %dma_start3A_132 = tpu.memref_slice %arg7[%add3A_131] : memref<20000xf32, #tpu.memory_space<hbm>> -> memref<640xf32, #tpu.memory_space<hbm>>
        %dma_start3A_133 = tpu.memref_slice %arg7[%add3A_131] : memref<20000xf32, #tpu.memory_space<hbm>> -> memref<640xf32, #tpu.memory_space<hbm>>
        tpu.enqueue_dma source(%arg22 : memref<640xf32, #tpu.memory_space<vmem>>) target(%dma_start3A_133 : memref<640xf32, #tpu.memory_space<hbm>>) target_semaphore(%run_scoped3A : memref<!tpu.dma_semaphore, #tpu.memory_space<semaphore_mem>>)
        %dma_wait3A_134 = tpu.memref_slice %arg7[%add3A_131] : memref<20000xf32, #tpu.memory_space<hbm>> -> memref<640xf32, #tpu.memory_space<hbm>>
        %dma_wait3A_135 = tpu.memref_slice %arg7[%add3A_131] : memref<20000xf32, #tpu.memory_space<hbm>> -> memref<640xf32, #tpu.memory_space<hbm>>
        tpu.wait_dma2 semaphore(%run_scoped3A : memref<!tpu.dma_semaphore, #tpu.memory_space<semaphore_mem>>) src(%arg22 : memref<640xf32, #tpu.memory_space<vmem>>) dst(%dma_wait3A_135 : memref<640xf32, #tpu.memory_space<hbm>>)
        tpu.yield
      }) : () -> ()
    } else {
    }
    return
  }
}

#map = affine_map<(d0, d1) -> (0, 0)>
#map1 = affine_map<(d0, d1) -> (0)>
#map2 = affine_map<(d0, d1) -> (0, 0, 0)>
module attributes {stable_mosaic.version = 14 : i64} {
  func.func @_seg_body(%arg0: i32, %arg1: i32, %arg2: memref<10000x128xf32, #tpu.memory_space<hbm>>, %arg3: memref<320000xi32, #tpu.memory_space<hbm>>, %arg4: memref<320000xi32, #tpu.memory_space<hbm>>, %arg5: memref<10000x128xf32, #tpu.memory_space<hbm>>, %arg6: memref<2x10000x128xf32, #tpu.memory_space<hbm>>, %arg7: memref<10000x128xf32, #tpu.memory_space<vmem_shared>>, %arg8: memref<10000xi32, #tpu.memory_space<vmem>>, %arg9: memref<64xi32, #tpu.memory_space<vmem>>, %arg10: memref<64xi32, #tpu.memory_space<vmem>>, %arg11: memref<64xi32, #tpu.memory_space<vmem>>, %arg12: memref<64xi32, #tpu.memory_space<vmem>>, %arg13: memref<64x128xf32, #tpu.memory_space<vmem>>, %arg14: memref<64x128xf32, #tpu.memory_space<vmem>>, %arg15: memref<64x128xf32, #tpu.memory_space<vmem>>, %arg16: memref<64x128xf32, #tpu.memory_space<vmem>>, %arg17: memref<16xi32, #tpu.memory_space<vmem>>, %arg18: memref<16x128xf32, #tpu.memory_space<vmem>>, %arg19: memref<!tpu.dma_semaphore, #tpu.memory_space<semaphore_mem>>, %arg20: memref<!tpu.dma_semaphore, #tpu.memory_space<semaphore_mem>>, %arg21: memref<!tpu.dma_semaphore, #tpu.memory_space<semaphore_mem>>, %arg22: memref<!tpu.dma_semaphore, #tpu.memory_space<semaphore_mem>>, %arg23: memref<!tpu.dma_semaphore, #tpu.memory_space<semaphore_mem>>, %arg24: memref<!tpu.dma_semaphore, #tpu.memory_space<semaphore_mem>>, %arg25: memref<!tpu.dma_semaphore, #tpu.memory_space<semaphore_mem>>, %arg26: memref<!tpu.dma_semaphore, #tpu.memory_space<semaphore_mem>>) attributes {dimension_semantics = [#tpu.dimension_semantics<core_parallel>, #tpu.dimension_semantics<subcore_parallel>], iteration_bounds = array<i64: 2, 16>, scalar_prefetch = 0 : i64, scratch_operands = 20 : i64, tpu.core_type = #tpu.core_type<sc_vector_subcore>, window_params = [{transform_indices = #map}, {transform_indices = #map1}, {transform_indices = #map1}, {transform_indices = #map}, {transform_indices = #map2}]} {
    %mul3A = arith.constant 2 : i32
    %mul3A_0 = arith.muli %arg1, %mul3A : i32
    %add3A = arith.addi %mul3A_0, %arg0 : i32
    %mul3A_1 = arith.constant 10000 : i32
    %mul3A_2 = arith.muli %add3A, %mul3A_1 : i32
    %multiple_of3A = tpu.assume_multiple %mul3A_2, 8 : i32
    %mul3A_3 = arith.constant 624 : i32
    %mul3A_4 = arith.muli %arg1, %mul3A_3 : i32
    %multiple_of3A_5 = tpu.assume_multiple %mul3A_4, 8 : i32
    "tpu.region"() ({
      %run_scoped3A = tpu.sem_alloc : memref<!tpu.dma_semaphore, #tpu.memory_space<semaphore_mem>>
      %dma_start3A_79 = tpu.memref_slice %arg3[%multiple_of3A] : memref<320000xi32, #tpu.memory_space<hbm>> -> memref<10000xi32, #tpu.memory_space<hbm>>
      %dma_start3A_80 = tpu.memref_slice %arg3[%multiple_of3A] : memref<320000xi32, #tpu.memory_space<hbm>> -> memref<10000xi32, #tpu.memory_space<hbm>>
      tpu.enqueue_dma source(%dma_start3A_80 : memref<10000xi32, #tpu.memory_space<hbm>>) target(%arg8 : memref<10000xi32, #tpu.memory_space<vmem>>) target_semaphore(%run_scoped3A : memref<!tpu.dma_semaphore, #tpu.memory_space<semaphore_mem>>)
      %dma_wait3A_81 = tpu.memref_slice %arg3[%multiple_of3A] : memref<320000xi32, #tpu.memory_space<hbm>> -> memref<10000xi32, #tpu.memory_space<hbm>>
      %dma_wait3A_82 = tpu.memref_slice %arg3[%multiple_of3A] : memref<320000xi32, #tpu.memory_space<hbm>> -> memref<10000xi32, #tpu.memory_space<hbm>>
      tpu.wait_dma2 semaphore(%run_scoped3A : memref<!tpu.dma_semaphore, #tpu.memory_space<semaphore_mem>>) src(%dma_wait3A_82 : memref<10000xi32, #tpu.memory_space<hbm>>) dst(%arg8 : memref<10000xi32, #tpu.memory_space<vmem>>)
      tpu.yield
    }) : () -> ()
    %add3A_6 = arith.constant 0 : i32
    %add3A_7 = arith.addi %multiple_of3A, %add3A_6 : i32
    %multiple_of3A_8 = tpu.assume_multiple %add3A_7, 8 : i32
    %dma_start3A = tpu.memref_slice %arg4[%multiple_of3A_8] : memref<320000xi32, #tpu.memory_space<hbm>> -> memref<64xi32, #tpu.memory_space<hbm>>
    %dma_start3A_9 = tpu.memref_slice %arg4[%multiple_of3A_8] : memref<320000xi32, #tpu.memory_space<hbm>> -> memref<64xi32, #tpu.memory_space<hbm>>
    tpu.enqueue_dma source(%dma_start3A_9 : memref<64xi32, #tpu.memory_space<hbm>>) target(%arg9 : memref<64xi32, #tpu.memory_space<vmem>>) target_semaphore(%arg23 : memref<!tpu.dma_semaphore, #tpu.memory_space<semaphore_mem>>)
    %dma_start3A_10 = arith.constant 0 : i32
    %dma_start3A_11 = tpu.memref_slice %arg8[%dma_start3A_10] : memref<10000xi32, #tpu.memory_space<vmem>> -> memref<64xi32, #tpu.memory_space<vmem>>
    %dma_start3A_12 = arith.constant 0 : i32
    %dma_start3A_13 = arith.constant 0 : i32
    %dma_start3A_14 = tpu.memref_slice %arg2[%dma_start3A_12, %dma_start3A_13] : memref<10000x128xf32, #tpu.memory_space<hbm>> -> memref<10000x128xf32, #tpu.memory_space<hbm>>
    tpu.enqueue_indirect_dma source(%dma_start3A_14 : memref<10000x128xf32, #tpu.memory_space<hbm>>) target(%arg13 : memref<64x128xf32, #tpu.memory_space<vmem>>) offsets(%dma_start3A_11 : memref<64xi32, #tpu.memory_space<vmem>>) semaphore(%arg19 : memref<!tpu.dma_semaphore, #tpu.memory_space<semaphore_mem>>)
    %add3A_15 = arith.constant 64 : i32
    %add3A_16 = arith.addi %multiple_of3A, %add3A_15 : i32
    %multiple_of3A_17 = tpu.assume_multiple %add3A_16, 8 : i32
    %dma_start3A_18 = tpu.memref_slice %arg4[%multiple_of3A_17] : memref<320000xi32, #tpu.memory_space<hbm>> -> memref<64xi32, #tpu.memory_space<hbm>>
    %dma_start3A_19 = tpu.memref_slice %arg4[%multiple_of3A_17] : memref<320000xi32, #tpu.memory_space<hbm>> -> memref<64xi32, #tpu.memory_space<hbm>>
    tpu.enqueue_dma source(%dma_start3A_19 : memref<64xi32, #tpu.memory_space<hbm>>) target(%arg10 : memref<64xi32, #tpu.memory_space<vmem>>) target_semaphore(%arg24 : memref<!tpu.dma_semaphore, #tpu.memory_space<semaphore_mem>>)
    %dma_start3A_20 = arith.constant 64 : i32
    %dma_start3A_21 = tpu.memref_slice %arg8[%dma_start3A_20] : memref<10000xi32, #tpu.memory_space<vmem>> -> memref<64xi32, #tpu.memory_space<vmem>>
    %dma_start3A_22 = arith.constant 0 : i32
    %dma_start3A_23 = arith.constant 0 : i32
    %dma_start3A_24 = tpu.memref_slice %arg2[%dma_start3A_22, %dma_start3A_23] : memref<10000x128xf32, #tpu.memory_space<hbm>> -> memref<10000x128xf32, #tpu.memory_space<hbm>>
    tpu.enqueue_indirect_dma source(%dma_start3A_24 : memref<10000x128xf32, #tpu.memory_space<hbm>>) target(%arg14 : memref<64x128xf32, #tpu.memory_space<vmem>>) offsets(%dma_start3A_21 : memref<64xi32, #tpu.memory_space<vmem>>) semaphore(%arg20 : memref<!tpu.dma_semaphore, #tpu.memory_space<semaphore_mem>>)
    %add3A_25 = arith.constant 128 : i32
    %add3A_26 = arith.addi %multiple_of3A, %add3A_25 : i32
    %multiple_of3A_27 = tpu.assume_multiple %add3A_26, 8 : i32
    %dma_start3A_28 = tpu.memref_slice %arg4[%multiple_of3A_27] : memref<320000xi32, #tpu.memory_space<hbm>> -> memref<64xi32, #tpu.memory_space<hbm>>
    %dma_start3A_29 = tpu.memref_slice %arg4[%multiple_of3A_27] : memref<320000xi32, #tpu.memory_space<hbm>> -> memref<64xi32, #tpu.memory_space<hbm>>
    tpu.enqueue_dma source(%dma_start3A_29 : memref<64xi32, #tpu.memory_space<hbm>>) target(%arg11 : memref<64xi32, #tpu.memory_space<vmem>>) target_semaphore(%arg25 : memref<!tpu.dma_semaphore, #tpu.memory_space<semaphore_mem>>)
    %dma_start3A_30 = arith.constant 128 : i32
    %dma_start3A_31 = tpu.memref_slice %arg8[%dma_start3A_30] : memref<10000xi32, #tpu.memory_space<vmem>> -> memref<64xi32, #tpu.memory_space<vmem>>
    %dma_start3A_32 = arith.constant 0 : i32
    %dma_start3A_33 = arith.constant 0 : i32
    %dma_start3A_34 = tpu.memref_slice %arg2[%dma_start3A_32, %dma_start3A_33] : memref<10000x128xf32, #tpu.memory_space<hbm>> -> memref<10000x128xf32, #tpu.memory_space<hbm>>
    tpu.enqueue_indirect_dma source(%dma_start3A_34 : memref<10000x128xf32, #tpu.memory_space<hbm>>) target(%arg15 : memref<64x128xf32, #tpu.memory_space<vmem>>) offsets(%dma_start3A_31 : memref<64xi32, #tpu.memory_space<vmem>>) semaphore(%arg21 : memref<!tpu.dma_semaphore, #tpu.memory_space<semaphore_mem>>)
    %add3A_35 = arith.constant 192 : i32
    %add3A_36 = arith.addi %multiple_of3A, %add3A_35 : i32
    %multiple_of3A_37 = tpu.assume_multiple %add3A_36, 8 : i32
    %dma_start3A_38 = tpu.memref_slice %arg4[%multiple_of3A_37] : memref<320000xi32, #tpu.memory_space<hbm>> -> memref<64xi32, #tpu.memory_space<hbm>>
    %dma_start3A_39 = tpu.memref_slice %arg4[%multiple_of3A_37] : memref<320000xi32, #tpu.memory_space<hbm>> -> memref<64xi32, #tpu.memory_space<hbm>>
    tpu.enqueue_dma source(%dma_start3A_39 : memref<64xi32, #tpu.memory_space<hbm>>) target(%arg12 : memref<64xi32, #tpu.memory_space<vmem>>) target_semaphore(%arg26 : memref<!tpu.dma_semaphore, #tpu.memory_space<semaphore_mem>>)
    %dma_start3A_40 = arith.constant 192 : i32
    %dma_start3A_41 = tpu.memref_slice %arg8[%dma_start3A_40] : memref<10000xi32, #tpu.memory_space<vmem>> -> memref<64xi32, #tpu.memory_space<vmem>>
    %dma_start3A_42 = arith.constant 0 : i32
    %dma_start3A_43 = arith.constant 0 : i32
    %dma_start3A_44 = tpu.memref_slice %arg2[%dma_start3A_42, %dma_start3A_43] : memref<10000x128xf32, #tpu.memory_space<hbm>> -> memref<10000x128xf32, #tpu.memory_space<hbm>>
    tpu.enqueue_indirect_dma source(%dma_start3A_44 : memref<10000x128xf32, #tpu.memory_space<hbm>>) target(%arg16 : memref<64x128xf32, #tpu.memory_space<vmem>>) offsets(%dma_start3A_41 : memref<64xi32, #tpu.memory_space<vmem>>) semaphore(%arg22 : memref<!tpu.dma_semaphore, #tpu.memory_space<semaphore_mem>>)
    %lt3A = arith.constant 15 : i32
    %lt3A_45 = arith.cmpi slt, %arg1, %lt3A : i32
    %convert_element_type3A = arith.extui %lt3A_45 : i1 to i32
    %cond3A = arith.constant 0 : i32
    %cond3A_46 = arith.cmpi ne, %convert_element_type3A, %cond3A : i32
    scf.if %cond3A_46 {
      "tpu.region"() ({
        %run_scoped3A = tpu.sem_alloc : memref<!tpu.dma_semaphore, #tpu.memory_space<semaphore_mem>>
        %dma_start3A_79 = arith.constant 0 : i32
        %dma_start3A_80 = tpu.memref_slice %arg7[%multiple_of3A_5, %dma_start3A_79] : memref<10000x128xf32, #tpu.memory_space<vmem_shared>> -> memref<624x128xf32, #tpu.memory_space<vmem_shared>>
        %dma_start3A_81 = arith.constant 0 : i32
        %dma_start3A_82 = tpu.memref_slice %arg5[%multiple_of3A_5, %dma_start3A_81] : memref<10000x128xf32, #tpu.memory_space<hbm>> -> memref<624x128xf32, #tpu.memory_space<hbm>>
        tpu.enqueue_dma source(%dma_start3A_82 : memref<624x128xf32, #tpu.memory_space<hbm>>) target(%dma_start3A_80 : memref<624x128xf32, #tpu.memory_space<vmem_shared>>) target_semaphore(%run_scoped3A : memref<!tpu.dma_semaphore, #tpu.memory_space<semaphore_mem>>)
        %dma_wait3A_83 = arith.constant 0 : i32
        %dma_wait3A_84 = tpu.memref_slice %arg7[%multiple_of3A_5, %dma_wait3A_83] : memref<10000x128xf32, #tpu.memory_space<vmem_shared>> -> memref<624x128xf32, #tpu.memory_space<vmem_shared>>
        %dma_wait3A_85 = arith.constant 0 : i32
        %dma_wait3A_86 = tpu.memref_slice %arg5[%multiple_of3A_5, %dma_wait3A_85] : memref<10000x128xf32, #tpu.memory_space<hbm>> -> memref<624x128xf32, #tpu.memory_space<hbm>>
        tpu.wait_dma2 semaphore(%run_scoped3A : memref<!tpu.dma_semaphore, #tpu.memory_space<semaphore_mem>>) src(%dma_wait3A_86 : memref<624x128xf32, #tpu.memory_space<hbm>>) dst(%dma_wait3A_84 : memref<624x128xf32, #tpu.memory_space<vmem_shared>>)
        tpu.yield
      }) : () -> ()
    } else {
    }
    %eq3A = arith.constant 15 : i32
    %eq3A_47 = arith.cmpi eq, %arg1, %eq3A : i32
    %convert_element_type3A_48 = arith.extui %eq3A_47 : i1 to i32
    %cond3A_49 = arith.constant 0 : i32
    %cond3A_50 = arith.cmpi ne, %convert_element_type3A_48, %cond3A_49 : i32
    scf.if %cond3A_50 {
      "tpu.region"() ({
        %run_scoped3A = tpu.sem_alloc : memref<!tpu.dma_semaphore, #tpu.memory_space<semaphore_mem>>
        %dma_start3A_79 = arith.constant 9360 : i32
        %dma_start3A_80 = arith.constant 0 : i32
        %dma_start3A_81 = tpu.memref_slice %arg7[%dma_start3A_79, %dma_start3A_80] : memref<10000x128xf32, #tpu.memory_space<vmem_shared>> -> memref<640x128xf32, #tpu.memory_space<vmem_shared>>
        %dma_start3A_82 = arith.constant 9360 : i32
        %dma_start3A_83 = arith.constant 0 : i32
        %dma_start3A_84 = tpu.memref_slice %arg5[%dma_start3A_82, %dma_start3A_83] : memref<10000x128xf32, #tpu.memory_space<hbm>> -> memref<640x128xf32, #tpu.memory_space<hbm>>
        tpu.enqueue_dma source(%dma_start3A_84 : memref<640x128xf32, #tpu.memory_space<hbm>>) target(%dma_start3A_81 : memref<640x128xf32, #tpu.memory_space<vmem_shared>>) target_semaphore(%run_scoped3A : memref<!tpu.dma_semaphore, #tpu.memory_space<semaphore_mem>>)
        %dma_wait3A_85 = arith.constant 9360 : i32
        %dma_wait3A_86 = arith.constant 0 : i32
        %dma_wait3A_87 = tpu.memref_slice %arg7[%dma_wait3A_85, %dma_wait3A_86] : memref<10000x128xf32, #tpu.memory_space<vmem_shared>> -> memref<640x128xf32, #tpu.memory_space<vmem_shared>>
        %dma_wait3A_88 = arith.constant 9360 : i32
        %dma_wait3A_89 = arith.constant 0 : i32
        %dma_wait3A_90 = tpu.memref_slice %arg5[%dma_wait3A_88, %dma_wait3A_89] : memref<10000x128xf32, #tpu.memory_space<hbm>> -> memref<640x128xf32, #tpu.memory_space<hbm>>
        tpu.wait_dma2 semaphore(%run_scoped3A : memref<!tpu.dma_semaphore, #tpu.memory_space<semaphore_mem>>) src(%dma_wait3A_90 : memref<640x128xf32, #tpu.memory_space<hbm>>) dst(%dma_wait3A_87 : memref<640x128xf32, #tpu.memory_space<vmem_shared>>)
        tpu.yield
      }) : () -> ()
    } else {
    }
    %barrier3A = arith.constant 0 : index
    tpu.barrier barrier_id(%barrier3A)
    %scan3A = arith.constant 0 : i32
    %scan3A_51 = arith.constant 0 : i32
    %scan3A_52 = arith.constant 39 : i32
    %scan3A_53 = arith.addi %scan3A_51, %scan3A_52 : i32
    %scan3A_54 = arith.constant 1 : i32
    scf.for %scan3A_79 = %scan3A_51 to %scan3A_53 step %scan3A_54  : i32 {
      %mul3A_80 = arith.constant 4 : i32
      %mul3A_81 = arith.muli %scan3A_79, %mul3A_80 : i32
      %add3A_82 = arith.constant 0 : i32
      %add3A_83 = arith.addi %mul3A_81, %add3A_82 : i32
      %dma_wait3A_84 = arith.constant 0 : i32
      %dma_wait3A_85 = tpu.memref_slice %arg8[%dma_wait3A_84] : memref<10000xi32, #tpu.memory_space<vmem>> -> memref<64xi32, #tpu.memory_space<vmem>>
      %dma_wait3A_86 = arith.constant 0 : i32
      %dma_wait3A_87 = arith.constant 0 : i32
      %dma_wait3A_88 = tpu.memref_slice %arg2[%dma_wait3A_86, %dma_wait3A_87] : memref<10000x128xf32, #tpu.memory_space<hbm>> -> memref<10000x128xf32, #tpu.memory_space<hbm>>
      tpu.wait_indirect_dma semaphore(%arg19 : memref<!tpu.dma_semaphore, #tpu.memory_space<semaphore_mem>>) src(%dma_wait3A_88 : memref<10000x128xf32, #tpu.memory_space<hbm>>) dst(%arg13 : memref<64x128xf32, #tpu.memory_space<vmem>>)
      %dma_wait3A_89 = arith.constant 0 : i32
      %dma_wait3A_90 = tpu.memref_slice %arg4[%dma_wait3A_89] : memref<320000xi32, #tpu.memory_space<hbm>> -> memref<64xi32, #tpu.memory_space<hbm>>
      %dma_wait3A_91 = arith.constant 0 : i32
      %dma_wait3A_92 = tpu.memref_slice %arg4[%dma_wait3A_91] : memref<320000xi32, #tpu.memory_space<hbm>> -> memref<64xi32, #tpu.memory_space<hbm>>
      tpu.wait_dma2 semaphore(%arg23 : memref<!tpu.dma_semaphore, #tpu.memory_space<semaphore_mem>>) src(%dma_wait3A_92 : memref<64xi32, #tpu.memory_space<hbm>>) dst(%arg9 : memref<64xi32, #tpu.memory_space<vmem>>)
      "tpu.region"() ({
        %run_scoped3A = tpu.sem_alloc : memref<!tpu.dma_semaphore, #tpu.memory_space<semaphore_mem>>
        %dma_start3A_152 = arith.constant 0 : i32
        %dma_start3A_153 = arith.constant 0 : i32
        %dma_start3A_154 = tpu.memref_slice %arg7[%dma_start3A_152, %dma_start3A_153] : memref<10000x128xf32, #tpu.memory_space<vmem_shared>> -> memref<10000x128xf32, #tpu.memory_space<vmem_shared>>
        tpu.enqueue_indirect_dma source(%arg13 : memref<64x128xf32, #tpu.memory_space<vmem>>) target(%dma_start3A_154 : memref<10000x128xf32, #tpu.memory_space<vmem_shared>>) offsets(%arg9 : memref<64xi32, #tpu.memory_space<vmem>>) semaphore(%run_scoped3A : memref<!tpu.dma_semaphore, #tpu.memory_space<semaphore_mem>>) {add = true}
        %dma_wait3A_155 = arith.constant 0 : i32
        %dma_wait3A_156 = arith.constant 0 : i32
        %dma_wait3A_157 = tpu.memref_slice %arg7[%dma_wait3A_155, %dma_wait3A_156] : memref<10000x128xf32, #tpu.memory_space<vmem_shared>> -> memref<10000x128xf32, #tpu.memory_space<vmem_shared>>
        tpu.wait_indirect_dma semaphore(%run_scoped3A : memref<!tpu.dma_semaphore, #tpu.memory_space<semaphore_mem>>) src(%arg13 : memref<64x128xf32, #tpu.memory_space<vmem>>) dst(%dma_wait3A_157 : memref<10000x128xf32, #tpu.memory_space<vmem_shared>>)
        tpu.yield
      }) : () -> ()
      %lt3A_93 = arith.constant 38 : i32
      %lt3A_94 = arith.cmpi slt, %scan3A_79, %lt3A_93 : i32
      %convert_element_type3A_95 = arith.extui %lt3A_94 : i1 to i32
      %cond3A_96 = arith.constant 0 : i32
      %cond3A_97 = arith.cmpi ne, %convert_element_type3A_95, %cond3A_96 : i32
      scf.if %cond3A_97 {
        %add3A_152 = arith.constant 4 : i32
        %add3A_153 = arith.addi %add3A_83, %add3A_152 : i32
        %mul3A_154 = arith.constant 64 : i32
        %mul3A_155 = arith.muli %add3A_153, %mul3A_154 : i32
        %add3A_156 = arith.addi %multiple_of3A, %mul3A_155 : i32
        %multiple_of3A_157 = tpu.assume_multiple %add3A_156, 8 : i32
        %dma_start3A_158 = tpu.memref_slice %arg4[%multiple_of3A_157] : memref<320000xi32, #tpu.memory_space<hbm>> -> memref<64xi32, #tpu.memory_space<hbm>>
        %dma_start3A_159 = tpu.memref_slice %arg4[%multiple_of3A_157] : memref<320000xi32, #tpu.memory_space<hbm>> -> memref<64xi32, #tpu.memory_space<hbm>>
        tpu.enqueue_dma source(%dma_start3A_159 : memref<64xi32, #tpu.memory_space<hbm>>) target(%arg9 : memref<64xi32, #tpu.memory_space<vmem>>) target_semaphore(%arg23 : memref<!tpu.dma_semaphore, #tpu.memory_space<semaphore_mem>>)
        %add3A_160 = arith.constant 4 : i32
        %add3A_161 = arith.addi %add3A_83, %add3A_160 : i32
        %mul3A_162 = arith.constant 64 : i32
        %mul3A_163 = arith.muli %add3A_161, %mul3A_162 : i32
        %dma_start3A_164 = tpu.memref_slice %arg8[%mul3A_163] : memref<10000xi32, #tpu.memory_space<vmem>> -> memref<64xi32, #tpu.memory_space<vmem>>
        %dma_start3A_165 = arith.constant 0 : i32
        %dma_start3A_166 = arith.constant 0 : i32
        %dma_start3A_167 = tpu.memref_slice %arg2[%dma_start3A_165, %dma_start3A_166] : memref<10000x128xf32, #tpu.memory_space<hbm>> -> memref<10000x128xf32, #tpu.memory_space<hbm>>
        tpu.enqueue_indirect_dma source(%dma_start3A_167 : memref<10000x128xf32, #tpu.memory_space<hbm>>) target(%arg13 : memref<64x128xf32, #tpu.memory_space<vmem>>) offsets(%dma_start3A_164 : memref<64xi32, #tpu.memory_space<vmem>>) semaphore(%arg19 : memref<!tpu.dma_semaphore, #tpu.memory_space<semaphore_mem>>)
      } else {
      }
      %mul3A_98 = arith.constant 4 : i32
      %mul3A_99 = arith.muli %scan3A_79, %mul3A_98 : i32
      %add3A_100 = arith.constant 1 : i32
      %add3A_101 = arith.addi %mul3A_99, %add3A_100 : i32
      %dma_wait3A_102 = arith.constant 0 : i32
      %dma_wait3A_103 = tpu.memref_slice %arg8[%dma_wait3A_102] : memref<10000xi32, #tpu.memory_space<vmem>> -> memref<64xi32, #tpu.memory_space<vmem>>
      %dma_wait3A_104 = arith.constant 0 : i32
      %dma_wait3A_105 = arith.constant 0 : i32
      %dma_wait3A_106 = tpu.memref_slice %arg2[%dma_wait3A_104, %dma_wait3A_105] : memref<10000x128xf32, #tpu.memory_space<hbm>> -> memref<10000x128xf32, #tpu.memory_space<hbm>>
      tpu.wait_indirect_dma semaphore(%arg20 : memref<!tpu.dma_semaphore, #tpu.memory_space<semaphore_mem>>) src(%dma_wait3A_106 : memref<10000x128xf32, #tpu.memory_space<hbm>>) dst(%arg14 : memref<64x128xf32, #tpu.memory_space<vmem>>)
      %dma_wait3A_107 = arith.constant 0 : i32
      %dma_wait3A_108 = tpu.memref_slice %arg4[%dma_wait3A_107] : memref<320000xi32, #tpu.memory_space<hbm>> -> memref<64xi32, #tpu.memory_space<hbm>>
      %dma_wait3A_109 = arith.constant 0 : i32
      %dma_wait3A_110 = tpu.memref_slice %arg4[%dma_wait3A_109] : memref<320000xi32, #tpu.memory_space<hbm>> -> memref<64xi32, #tpu.memory_space<hbm>>
      tpu.wait_dma2 semaphore(%arg24 : memref<!tpu.dma_semaphore, #tpu.memory_space<semaphore_mem>>) src(%dma_wait3A_110 : memref<64xi32, #tpu.memory_space<hbm>>) dst(%arg10 : memref<64xi32, #tpu.memory_space<vmem>>)
      "tpu.region"() ({
        %run_scoped3A = tpu.sem_alloc : memref<!tpu.dma_semaphore, #tpu.memory_space<semaphore_mem>>
        %dma_start3A_152 = arith.constant 0 : i32
        %dma_start3A_153 = arith.constant 0 : i32
        %dma_start3A_154 = tpu.memref_slice %arg7[%dma_start3A_152, %dma_start3A_153] : memref<10000x128xf32, #tpu.memory_space<vmem_shared>> -> memref<10000x128xf32, #tpu.memory_space<vmem_shared>>
        tpu.enqueue_indirect_dma source(%arg14 : memref<64x128xf32, #tpu.memory_space<vmem>>) target(%dma_start3A_154 : memref<10000x128xf32, #tpu.memory_space<vmem_shared>>) offsets(%arg10 : memref<64xi32, #tpu.memory_space<vmem>>) semaphore(%run_scoped3A : memref<!tpu.dma_semaphore, #tpu.memory_space<semaphore_mem>>) {add = true}
        %dma_wait3A_155 = arith.constant 0 : i32
        %dma_wait3A_156 = arith.constant 0 : i32
        %dma_wait3A_157 = tpu.memref_slice %arg7[%dma_wait3A_155, %dma_wait3A_156] : memref<10000x128xf32, #tpu.memory_space<vmem_shared>> -> memref<10000x128xf32, #tpu.memory_space<vmem_shared>>
        tpu.wait_indirect_dma semaphore(%run_scoped3A : memref<!tpu.dma_semaphore, #tpu.memory_space<semaphore_mem>>) src(%arg14 : memref<64x128xf32, #tpu.memory_space<vmem>>) dst(%dma_wait3A_157 : memref<10000x128xf32, #tpu.memory_space<vmem_shared>>)
        tpu.yield
      }) : () -> ()
      %lt3A_111 = arith.constant 38 : i32
      %lt3A_112 = arith.cmpi slt, %scan3A_79, %lt3A_111 : i32
      %convert_element_type3A_113 = arith.extui %lt3A_112 : i1 to i32
      %cond3A_114 = arith.constant 0 : i32
      %cond3A_115 = arith.cmpi ne, %convert_element_type3A_113, %cond3A_114 : i32
      scf.if %cond3A_115 {
        %add3A_152 = arith.constant 4 : i32
        %add3A_153 = arith.addi %add3A_101, %add3A_152 : i32
        %mul3A_154 = arith.constant 64 : i32
        %mul3A_155 = arith.muli %add3A_153, %mul3A_154 : i32
        %add3A_156 = arith.addi %multiple_of3A, %mul3A_155 : i32
        %multiple_of3A_157 = tpu.assume_multiple %add3A_156, 8 : i32
        %dma_start3A_158 = tpu.memref_slice %arg4[%multiple_of3A_157] : memref<320000xi32, #tpu.memory_space<hbm>> -> memref<64xi32, #tpu.memory_space<hbm>>
        %dma_start3A_159 = tpu.memref_slice %arg4[%multiple_of3A_157] : memref<320000xi32, #tpu.memory_space<hbm>> -> memref<64xi32, #tpu.memory_space<hbm>>
        tpu.enqueue_dma source(%dma_start3A_159 : memref<64xi32, #tpu.memory_space<hbm>>) target(%arg10 : memref<64xi32, #tpu.memory_space<vmem>>) target_semaphore(%arg24 : memref<!tpu.dma_semaphore, #tpu.memory_space<semaphore_mem>>)
        %add3A_160 = arith.constant 4 : i32
        %add3A_161 = arith.addi %add3A_101, %add3A_160 : i32
        %mul3A_162 = arith.constant 64 : i32
        %mul3A_163 = arith.muli %add3A_161, %mul3A_162 : i32
        %dma_start3A_164 = tpu.memref_slice %arg8[%mul3A_163] : memref<10000xi32, #tpu.memory_space<vmem>> -> memref<64xi32, #tpu.memory_space<vmem>>
        %dma_start3A_165 = arith.constant 0 : i32
        %dma_start3A_166 = arith.constant 0 : i32
        %dma_start3A_167 = tpu.memref_slice %arg2[%dma_start3A_165, %dma_start3A_166] : memref<10000x128xf32, #tpu.memory_space<hbm>> -> memref<10000x128xf32, #tpu.memory_space<hbm>>
        tpu.enqueue_indirect_dma source(%dma_start3A_167 : memref<10000x128xf32, #tpu.memory_space<hbm>>) target(%arg14 : memref<64x128xf32, #tpu.memory_space<vmem>>) offsets(%dma_start3A_164 : memref<64xi32, #tpu.memory_space<vmem>>) semaphore(%arg20 : memref<!tpu.dma_semaphore, #tpu.memory_space<semaphore_mem>>)
      } else {
      }
      %mul3A_116 = arith.constant 4 : i32
      %mul3A_117 = arith.muli %scan3A_79, %mul3A_116 : i32
      %add3A_118 = arith.constant 2 : i32
      %add3A_119 = arith.addi %mul3A_117, %add3A_118 : i32
      %dma_wait3A_120 = arith.constant 0 : i32
      %dma_wait3A_121 = tpu.memref_slice %arg8[%dma_wait3A_120] : memref<10000xi32, #tpu.memory_space<vmem>> -> memref<64xi32, #tpu.memory_space<vmem>>
      %dma_wait3A_122 = arith.constant 0 : i32
      %dma_wait3A_123 = arith.constant 0 : i32
      %dma_wait3A_124 = tpu.memref_slice %arg2[%dma_wait3A_122, %dma_wait3A_123] : memref<10000x128xf32, #tpu.memory_space<hbm>> -> memref<10000x128xf32, #tpu.memory_space<hbm>>
      tpu.wait_indirect_dma semaphore(%arg21 : memref<!tpu.dma_semaphore, #tpu.memory_space<semaphore_mem>>) src(%dma_wait3A_124 : memref<10000x128xf32, #tpu.memory_space<hbm>>) dst(%arg15 : memref<64x128xf32, #tpu.memory_space<vmem>>)
      %dma_wait3A_125 = arith.constant 0 : i32
      %dma_wait3A_126 = tpu.memref_slice %arg4[%dma_wait3A_125] : memref<320000xi32, #tpu.memory_space<hbm>> -> memref<64xi32, #tpu.memory_space<hbm>>
      %dma_wait3A_127 = arith.constant 0 : i32
      %dma_wait3A_128 = tpu.memref_slice %arg4[%dma_wait3A_127] : memref<320000xi32, #tpu.memory_space<hbm>> -> memref<64xi32, #tpu.memory_space<hbm>>
      tpu.wait_dma2 semaphore(%arg25 : memref<!tpu.dma_semaphore, #tpu.memory_space<semaphore_mem>>) src(%dma_wait3A_128 : memref<64xi32, #tpu.memory_space<hbm>>) dst(%arg11 : memref<64xi32, #tpu.memory_space<vmem>>)
      "tpu.region"() ({
        %run_scoped3A = tpu.sem_alloc : memref<!tpu.dma_semaphore, #tpu.memory_space<semaphore_mem>>
        %dma_start3A_152 = arith.constant 0 : i32
        %dma_start3A_153 = arith.constant 0 : i32
        %dma_start3A_154 = tpu.memref_slice %arg7[%dma_start3A_152, %dma_start3A_153] : memref<10000x128xf32, #tpu.memory_space<vmem_shared>> -> memref<10000x128xf32, #tpu.memory_space<vmem_shared>>
        tpu.enqueue_indirect_dma source(%arg15 : memref<64x128xf32, #tpu.memory_space<vmem>>) target(%dma_start3A_154 : memref<10000x128xf32, #tpu.memory_space<vmem_shared>>) offsets(%arg11 : memref<64xi32, #tpu.memory_space<vmem>>) semaphore(%run_scoped3A : memref<!tpu.dma_semaphore, #tpu.memory_space<semaphore_mem>>) {add = true}
        %dma_wait3A_155 = arith.constant 0 : i32
        %dma_wait3A_156 = arith.constant 0 : i32
        %dma_wait3A_157 = tpu.memref_slice %arg7[%dma_wait3A_155, %dma_wait3A_156] : memref<10000x128xf32, #tpu.memory_space<vmem_shared>> -> memref<10000x128xf32, #tpu.memory_space<vmem_shared>>
        tpu.wait_indirect_dma semaphore(%run_scoped3A : memref<!tpu.dma_semaphore, #tpu.memory_space<semaphore_mem>>) src(%arg15 : memref<64x128xf32, #tpu.memory_space<vmem>>) dst(%dma_wait3A_157 : memref<10000x128xf32, #tpu.memory_space<vmem_shared>>)
        tpu.yield
      }) : () -> ()
      %lt3A_129 = arith.constant 38 : i32
      %lt3A_130 = arith.cmpi slt, %scan3A_79, %lt3A_129 : i32
      %convert_element_type3A_131 = arith.extui %lt3A_130 : i1 to i32
      %cond3A_132 = arith.constant 0 : i32
      %cond3A_133 = arith.cmpi ne, %convert_element_type3A_131, %cond3A_132 : i32
      scf.if %cond3A_133 {
        %add3A_152 = arith.constant 4 : i32
        %add3A_153 = arith.addi %add3A_119, %add3A_152 : i32
        %mul3A_154 = arith.constant 64 : i32
        %mul3A_155 = arith.muli %add3A_153, %mul3A_154 : i32
        %add3A_156 = arith.addi %multiple_of3A, %mul3A_155 : i32
        %multiple_of3A_157 = tpu.assume_multiple %add3A_156, 8 : i32
        %dma_start3A_158 = tpu.memref_slice %arg4[%multiple_of3A_157] : memref<320000xi32, #tpu.memory_space<hbm>> -> memref<64xi32, #tpu.memory_space<hbm>>
        %dma_start3A_159 = tpu.memref_slice %arg4[%multiple_of3A_157] : memref<320000xi32, #tpu.memory_space<hbm>> -> memref<64xi32, #tpu.memory_space<hbm>>
        tpu.enqueue_dma source(%dma_start3A_159 : memref<64xi32, #tpu.memory_space<hbm>>) target(%arg11 : memref<64xi32, #tpu.memory_space<vmem>>) target_semaphore(%arg25 : memref<!tpu.dma_semaphore, #tpu.memory_space<semaphore_mem>>)
        %add3A_160 = arith.constant 4 : i32
        %add3A_161 = arith.addi %add3A_119, %add3A_160 : i32
        %mul3A_162 = arith.constant 64 : i32
        %mul3A_163 = arith.muli %add3A_161, %mul3A_162 : i32
        %dma_start3A_164 = tpu.memref_slice %arg8[%mul3A_163] : memref<10000xi32, #tpu.memory_space<vmem>> -> memref<64xi32, #tpu.memory_space<vmem>>
        %dma_start3A_165 = arith.constant 0 : i32
        %dma_start3A_166 = arith.constant 0 : i32
        %dma_start3A_167 = tpu.memref_slice %arg2[%dma_start3A_165, %dma_start3A_166] : memref<10000x128xf32, #tpu.memory_space<hbm>> -> memref<10000x128xf32, #tpu.memory_space<hbm>>
        tpu.enqueue_indirect_dma source(%dma_start3A_167 : memref<10000x128xf32, #tpu.memory_space<hbm>>) target(%arg15 : memref<64x128xf32, #tpu.memory_space<vmem>>) offsets(%dma_start3A_164 : memref<64xi32, #tpu.memory_space<vmem>>) semaphore(%arg21 : memref<!tpu.dma_semaphore, #tpu.memory_space<semaphore_mem>>)
      } else {
      }
      %mul3A_134 = arith.constant 4 : i32
      %mul3A_135 = arith.muli %scan3A_79, %mul3A_134 : i32
      %add3A_136 = arith.constant 3 : i32
      %add3A_137 = arith.addi %mul3A_135, %add3A_136 : i32
      %dma_wait3A_138 = arith.constant 0 : i32
      %dma_wait3A_139 = tpu.memref_slice %arg8[%dma_wait3A_138] : memref<10000xi32, #tpu.memory_space<vmem>> -> memref<64xi32, #tpu.memory_space<vmem>>
      %dma_wait3A_140 = arith.constant 0 : i32
      %dma_wait3A_141 = arith.constant 0 : i32
      %dma_wait3A_142 = tpu.memref_slice %arg2[%dma_wait3A_140, %dma_wait3A_141] : memref<10000x128xf32, #tpu.memory_space<hbm>> -> memref<10000x128xf32, #tpu.memory_space<hbm>>
      tpu.wait_indirect_dma semaphore(%arg22 : memref<!tpu.dma_semaphore, #tpu.memory_space<semaphore_mem>>) src(%dma_wait3A_142 : memref<10000x128xf32, #tpu.memory_space<hbm>>) dst(%arg16 : memref<64x128xf32, #tpu.memory_space<vmem>>)
      %dma_wait3A_143 = arith.constant 0 : i32
      %dma_wait3A_144 = tpu.memref_slice %arg4[%dma_wait3A_143] : memref<320000xi32, #tpu.memory_space<hbm>> -> memref<64xi32, #tpu.memory_space<hbm>>
      %dma_wait3A_145 = arith.constant 0 : i32
      %dma_wait3A_146 = tpu.memref_slice %arg4[%dma_wait3A_145] : memref<320000xi32, #tpu.memory_space<hbm>> -> memref<64xi32, #tpu.memory_space<hbm>>
      tpu.wait_dma2 semaphore(%arg26 : memref<!tpu.dma_semaphore, #tpu.memory_space<semaphore_mem>>) src(%dma_wait3A_146 : memref<64xi32, #tpu.memory_space<hbm>>) dst(%arg12 : memref<64xi32, #tpu.memory_space<vmem>>)
      "tpu.region"() ({
        %run_scoped3A = tpu.sem_alloc : memref<!tpu.dma_semaphore, #tpu.memory_space<semaphore_mem>>
        %dma_start3A_152 = arith.constant 0 : i32
        %dma_start3A_153 = arith.constant 0 : i32
        %dma_start3A_154 = tpu.memref_slice %arg7[%dma_start3A_152, %dma_start3A_153] : memref<10000x128xf32, #tpu.memory_space<vmem_shared>> -> memref<10000x128xf32, #tpu.memory_space<vmem_shared>>
        tpu.enqueue_indirect_dma source(%arg16 : memref<64x128xf32, #tpu.memory_space<vmem>>) target(%dma_start3A_154 : memref<10000x128xf32, #tpu.memory_space<vmem_shared>>) offsets(%arg12 : memref<64xi32, #tpu.memory_space<vmem>>) semaphore(%run_scoped3A : memref<!tpu.dma_semaphore, #tpu.memory_space<semaphore_mem>>) {add = true}
        %dma_wait3A_155 = arith.constant 0 : i32
        %dma_wait3A_156 = arith.constant 0 : i32
        %dma_wait3A_157 = tpu.memref_slice %arg7[%dma_wait3A_155, %dma_wait3A_156] : memref<10000x128xf32, #tpu.memory_space<vmem_shared>> -> memref<10000x128xf32, #tpu.memory_space<vmem_shared>>
        tpu.wait_indirect_dma semaphore(%run_scoped3A : memref<!tpu.dma_semaphore, #tpu.memory_space<semaphore_mem>>) src(%arg16 : memref<64x128xf32, #tpu.memory_space<vmem>>) dst(%dma_wait3A_157 : memref<10000x128xf32, #tpu.memory_space<vmem_shared>>)
        tpu.yield
      }) : () -> ()
      %lt3A_147 = arith.constant 38 : i32
      %lt3A_148 = arith.cmpi slt, %scan3A_79, %lt3A_147 : i32
      %convert_element_type3A_149 = arith.extui %lt3A_148 : i1 to i32
      %cond3A_150 = arith.constant 0 : i32
      %cond3A_151 = arith.cmpi ne, %convert_element_type3A_149, %cond3A_150 : i32
      scf.if %cond3A_151 {
        %add3A_152 = arith.constant 4 : i32
        %add3A_153 = arith.addi %add3A_137, %add3A_152 : i32
        %mul3A_154 = arith.constant 64 : i32
        %mul3A_155 = arith.muli %add3A_153, %mul3A_154 : i32
        %add3A_156 = arith.addi %multiple_of3A, %mul3A_155 : i32
        %multiple_of3A_157 = tpu.assume_multiple %add3A_156, 8 : i32
        %dma_start3A_158 = tpu.memref_slice %arg4[%multiple_of3A_157] : memref<320000xi32, #tpu.memory_space<hbm>> -> memref<64xi32, #tpu.memory_space<hbm>>
        %dma_start3A_159 = tpu.memref_slice %arg4[%multiple_of3A_157] : memref<320000xi32, #tpu.memory_space<hbm>> -> memref<64xi32, #tpu.memory_space<hbm>>
        tpu.enqueue_dma source(%dma_start3A_159 : memref<64xi32, #tpu.memory_space<hbm>>) target(%arg12 : memref<64xi32, #tpu.memory_space<vmem>>) target_semaphore(%arg26 : memref<!tpu.dma_semaphore, #tpu.memory_space<semaphore_mem>>)
        %add3A_160 = arith.constant 4 : i32
        %add3A_161 = arith.addi %add3A_137, %add3A_160 : i32
        %mul3A_162 = arith.constant 64 : i32
        %mul3A_163 = arith.muli %add3A_161, %mul3A_162 : i32
        %dma_start3A_164 = tpu.memref_slice %arg8[%mul3A_163] : memref<10000xi32, #tpu.memory_space<vmem>> -> memref<64xi32, #tpu.memory_space<vmem>>
        %dma_start3A_165 = arith.constant 0 : i32
        %dma_start3A_166 = arith.constant 0 : i32
        %dma_start3A_167 = tpu.memref_slice %arg2[%dma_start3A_165, %dma_start3A_166] : memref<10000x128xf32, #tpu.memory_space<hbm>> -> memref<10000x128xf32, #tpu.memory_space<hbm>>
        tpu.enqueue_indirect_dma source(%dma_start3A_167 : memref<10000x128xf32, #tpu.memory_space<hbm>>) target(%arg16 : memref<64x128xf32, #tpu.memory_space<vmem>>) offsets(%dma_start3A_164 : memref<64xi32, #tpu.memory_space<vmem>>) semaphore(%arg22 : memref<!tpu.dma_semaphore, #tpu.memory_space<semaphore_mem>>)
      } else {
      }
    }
    %scan3A_55 = arith.constant 39 : i32
    %add3A_56 = arith.constant 9984 : i32
    %add3A_57 = arith.addi %multiple_of3A, %add3A_56 : i32
    %multiple_of3A_58 = tpu.assume_multiple %add3A_57, 8 : i32
    "tpu.region"() ({
      %run_scoped3A = tpu.sem_alloc : memref<!tpu.dma_semaphore, #tpu.memory_space<semaphore_mem>>
      %dma_start3A_79 = tpu.memref_slice %arg4[%multiple_of3A_58] : memref<320000xi32, #tpu.memory_space<hbm>> -> memref<16xi32, #tpu.memory_space<hbm>>
      %dma_start3A_80 = tpu.memref_slice %arg4[%multiple_of3A_58] : memref<320000xi32, #tpu.memory_space<hbm>> -> memref<16xi32, #tpu.memory_space<hbm>>
      tpu.enqueue_dma source(%dma_start3A_80 : memref<16xi32, #tpu.memory_space<hbm>>) target(%arg17 : memref<16xi32, #tpu.memory_space<vmem>>) target_semaphore(%run_scoped3A : memref<!tpu.dma_semaphore, #tpu.memory_space<semaphore_mem>>)
      %dma_wait3A_81 = tpu.memref_slice %arg4[%multiple_of3A_58] : memref<320000xi32, #tpu.memory_space<hbm>> -> memref<16xi32, #tpu.memory_space<hbm>>
      %dma_wait3A_82 = tpu.memref_slice %arg4[%multiple_of3A_58] : memref<320000xi32, #tpu.memory_space<hbm>> -> memref<16xi32, #tpu.memory_space<hbm>>
      tpu.wait_dma2 semaphore(%run_scoped3A : memref<!tpu.dma_semaphore, #tpu.memory_space<semaphore_mem>>) src(%dma_wait3A_82 : memref<16xi32, #tpu.memory_space<hbm>>) dst(%arg17 : memref<16xi32, #tpu.memory_space<vmem>>)
      tpu.yield
    }) : () -> ()
    %dma_start3A_59 = arith.constant 9984 : i32
    %dma_start3A_60 = tpu.memref_slice %arg8[%dma_start3A_59] : memref<10000xi32, #tpu.memory_space<vmem>> -> memref<16xi32, #tpu.memory_space<vmem>>
    %dma_start3A_61 = arith.constant 0 : i32
    %dma_start3A_62 = arith.constant 0 : i32
    %dma_start3A_63 = tpu.memref_slice %arg2[%dma_start3A_61, %dma_start3A_62] : memref<10000x128xf32, #tpu.memory_space<hbm>> -> memref<10000x128xf32, #tpu.memory_space<hbm>>
    tpu.enqueue_indirect_dma source(%dma_start3A_63 : memref<10000x128xf32, #tpu.memory_space<hbm>>) target(%arg18 : memref<16x128xf32, #tpu.memory_space<vmem>>) offsets(%dma_start3A_60 : memref<16xi32, #tpu.memory_space<vmem>>) semaphore(%arg19 : memref<!tpu.dma_semaphore, #tpu.memory_space<semaphore_mem>>)
    %dma_wait3A = arith.constant 9984 : i32
    %dma_wait3A_64 = tpu.memref_slice %arg8[%dma_wait3A] : memref<10000xi32, #tpu.memory_space<vmem>> -> memref<16xi32, #tpu.memory_space<vmem>>
    %dma_wait3A_65 = arith.constant 0 : i32
    %dma_wait3A_66 = arith.constant 0 : i32
    %dma_wait3A_67 = tpu.memref_slice %arg2[%dma_wait3A_65, %dma_wait3A_66] : memref<10000x128xf32, #tpu.memory_space<hbm>> -> memref<10000x128xf32, #tpu.memory_space<hbm>>
    tpu.wait_indirect_dma semaphore(%arg19 : memref<!tpu.dma_semaphore, #tpu.memory_space<semaphore_mem>>) src(%dma_wait3A_67 : memref<10000x128xf32, #tpu.memory_space<hbm>>) dst(%arg18 : memref<16x128xf32, #tpu.memory_space<vmem>>)
    "tpu.region"() ({
      %run_scoped3A = tpu.sem_alloc : memref<!tpu.dma_semaphore, #tpu.memory_space<semaphore_mem>>
      %dma_start3A_79 = arith.constant 0 : i32
      %dma_start3A_80 = arith.constant 0 : i32
      %dma_start3A_81 = tpu.memref_slice %arg7[%dma_start3A_79, %dma_start3A_80] : memref<10000x128xf32, #tpu.memory_space<vmem_shared>> -> memref<10000x128xf32, #tpu.memory_space<vmem_shared>>
      tpu.enqueue_indirect_dma source(%arg18 : memref<16x128xf32, #tpu.memory_space<vmem>>) target(%dma_start3A_81 : memref<10000x128xf32, #tpu.memory_space<vmem_shared>>) offsets(%arg17 : memref<16xi32, #tpu.memory_space<vmem>>) semaphore(%run_scoped3A : memref<!tpu.dma_semaphore, #tpu.memory_space<semaphore_mem>>) {add = true}
      %dma_wait3A_82 = arith.constant 0 : i32
      %dma_wait3A_83 = arith.constant 0 : i32
      %dma_wait3A_84 = tpu.memref_slice %arg7[%dma_wait3A_82, %dma_wait3A_83] : memref<10000x128xf32, #tpu.memory_space<vmem_shared>> -> memref<10000x128xf32, #tpu.memory_space<vmem_shared>>
      tpu.wait_indirect_dma semaphore(%run_scoped3A : memref<!tpu.dma_semaphore, #tpu.memory_space<semaphore_mem>>) src(%arg18 : memref<16x128xf32, #tpu.memory_space<vmem>>) dst(%dma_wait3A_84 : memref<10000x128xf32, #tpu.memory_space<vmem_shared>>)
      tpu.yield
    }) : () -> ()
    %barrier3A_68 = arith.constant 0 : index
    tpu.barrier barrier_id(%barrier3A_68)
    %lt3A_69 = arith.constant 15 : i32
    %lt3A_70 = arith.cmpi slt, %arg1, %lt3A_69 : i32
    %convert_element_type3A_71 = arith.extui %lt3A_70 : i1 to i32
    %cond3A_72 = arith.constant 0 : i32
    %cond3A_73 = arith.cmpi ne, %convert_element_type3A_71, %cond3A_72 : i32
    scf.if %cond3A_73 {
      "tpu.region"() ({
        %run_scoped3A = tpu.sem_alloc : memref<!tpu.dma_semaphore, #tpu.memory_space<semaphore_mem>>
        %dma_start3A_79 = arith.constant 0 : i32
        %dma_start3A_80 = tpu.memref_slice %arg6[%arg0, %multiple_of3A_5, %dma_start3A_79] : memref<2x10000x128xf32, #tpu.memory_space<hbm>> -> memref<1x624x128xf32, #tpu.memory_space<hbm>>
        %dma_start3A_81 = tpu.memref_squeeze %dma_start3A_80 : memref<1x624x128xf32, #tpu.memory_space<hbm>> -> memref<624x128xf32, #tpu.memory_space<hbm>>
        %dma_start3A_82 = arith.constant 0 : i32
        %dma_start3A_83 = tpu.memref_slice %arg7[%multiple_of3A_5, %dma_start3A_82] : memref<10000x128xf32, #tpu.memory_space<vmem_shared>> -> memref<624x128xf32, #tpu.memory_space<vmem_shared>>
        tpu.enqueue_dma source(%dma_start3A_83 : memref<624x128xf32, #tpu.memory_space<vmem_shared>>) target(%dma_start3A_81 : memref<624x128xf32, #tpu.memory_space<hbm>>) target_semaphore(%run_scoped3A : memref<!tpu.dma_semaphore, #tpu.memory_space<semaphore_mem>>)
        %dma_wait3A_84 = arith.constant 0 : i32
        %dma_wait3A_85 = tpu.memref_slice %arg6[%arg0, %multiple_of3A_5, %dma_wait3A_84] : memref<2x10000x128xf32, #tpu.memory_space<hbm>> -> memref<1x624x128xf32, #tpu.memory_space<hbm>>
        %dma_wait3A_86 = tpu.memref_squeeze %dma_wait3A_85 : memref<1x624x128xf32, #tpu.memory_space<hbm>> -> memref<624x128xf32, #tpu.memory_space<hbm>>
        %dma_wait3A_87 = arith.constant 0 : i32
        %dma_wait3A_88 = tpu.memref_slice %arg7[%multiple_of3A_5, %dma_wait3A_87] : memref<10000x128xf32, #tpu.memory_space<vmem_shared>> -> memref<624x128xf32, #tpu.memory_space<vmem_shared>>
        tpu.wait_dma2 semaphore(%run_scoped3A : memref<!tpu.dma_semaphore, #tpu.memory_space<semaphore_mem>>) src(%dma_wait3A_88 : memref<624x128xf32, #tpu.memory_space<vmem_shared>>) dst(%dma_wait3A_86 : memref<624x128xf32, #tpu.memory_space<hbm>>)
        tpu.yield
      }) : () -> ()
    } else {
    }
    %eq3A_74 = arith.constant 15 : i32
    %eq3A_75 = arith.cmpi eq, %arg1, %eq3A_74 : i32
    %convert_element_type3A_76 = arith.extui %eq3A_75 : i1 to i32
    %cond3A_77 = arith.constant 0 : i32
    %cond3A_78 = arith.cmpi ne, %convert_element_type3A_76, %cond3A_77 : i32
    scf.if %cond3A_78 {
      "tpu.region"() ({
        %run_scoped3A = tpu.sem_alloc : memref<!tpu.dma_semaphore, #tpu.memory_space<semaphore_mem>>
        %dma_start3A_79 = arith.constant 9360 : i32
        %dma_start3A_80 = arith.constant 0 : i32
        %dma_start3A_81 = tpu.memref_slice %arg6[%arg0, %dma_start3A_79, %dma_start3A_80] : memref<2x10000x128xf32, #tpu.memory_space<hbm>> -> memref<1x640x128xf32, #tpu.memory_space<hbm>>
        %dma_start3A_82 = tpu.memref_squeeze %dma_start3A_81 : memref<1x640x128xf32, #tpu.memory_space<hbm>> -> memref<640x128xf32, #tpu.memory_space<hbm>>
        %dma_start3A_83 = arith.constant 9360 : i32
        %dma_start3A_84 = arith.constant 0 : i32
        %dma_start3A_85 = tpu.memref_slice %arg7[%dma_start3A_83, %dma_start3A_84] : memref<10000x128xf32, #tpu.memory_space<vmem_shared>> -> memref<640x128xf32, #tpu.memory_space<vmem_shared>>
        tpu.enqueue_dma source(%dma_start3A_85 : memref<640x128xf32, #tpu.memory_space<vmem_shared>>) target(%dma_start3A_82 : memref<640x128xf32, #tpu.memory_space<hbm>>) target_semaphore(%run_scoped3A : memref<!tpu.dma_semaphore, #tpu.memory_space<semaphore_mem>>)
        %dma_wait3A_86 = arith.constant 9360 : i32
        %dma_wait3A_87 = arith.constant 0 : i32
        %dma_wait3A_88 = tpu.memref_slice %arg6[%arg0, %dma_wait3A_86, %dma_wait3A_87] : memref<2x10000x128xf32, #tpu.memory_space<hbm>> -> memref<1x640x128xf32, #tpu.memory_space<hbm>>
        %dma_wait3A_89 = tpu.memref_squeeze %dma_wait3A_88 : memref<1x640x128xf32, #tpu.memory_space<hbm>> -> memref<640x128xf32, #tpu.memory_space<hbm>>
        %dma_wait3A_90 = arith.constant 9360 : i32
        %dma_wait3A_91 = arith.constant 0 : i32
        %dma_wait3A_92 = tpu.memref_slice %arg7[%dma_wait3A_90, %dma_wait3A_91] : memref<10000x128xf32, #tpu.memory_space<vmem_shared>> -> memref<640x128xf32, #tpu.memory_space<vmem_shared>>
        tpu.wait_dma2 semaphore(%run_scoped3A : memref<!tpu.dma_semaphore, #tpu.memory_space<semaphore_mem>>) src(%dma_wait3A_92 : memref<640x128xf32, #tpu.memory_space<vmem_shared>>) dst(%dma_wait3A_89 : memref<640x128xf32, #tpu.memory_space<hbm>>)
        tpu.yield
      }) : () -> ()
    } else {
    }
    return
  }
}

module attributes {stable_mosaic.version = 14 : i64} {
  func.func @_esplit_body(%arg0: memref<2x320000xi32, #tpu.memory_space<vmem>>, %arg1: memref<320000xi32, #tpu.memory_space<vmem>>, %arg2: memref<320000xi32, #tpu.memory_space<vmem>>) attributes {dimension_semantics = [], scalar_prefetch = 0 : i64, scratch_operands = 0 : i64, tpu.core_type = #tpu.core_type<tc>} {
    %get3A = arith.constant 0 : index
    %get3A_0 = arith.constant 0 : index
    %get3A_1 = vector.load %arg0[%get3A, %get3A_0] : memref<2x320000xi32, #tpu.memory_space<vmem>>, vector<1x320000xi32>
    %get3A_2 = vector.shape_cast %get3A_1 : vector<1x320000xi32> to vector<320000xi32>
    %swap3A = arith.constant 0 : index
    %swap3A_3 = vector.load %arg1[%swap3A] : memref<320000xi32, #tpu.memory_space<vmem>>, vector<320000xi32>
    tpu.vector_store %arg1[%swap3A], %get3A_2 {strides = array<i32>} : memref<320000xi32, #tpu.memory_space<vmem>>, vector<320000xi32>,
    %get3A_4 = arith.constant 1 : index
    %get3A_5 = arith.constant 0 : index
    %get3A_6 = vector.load %arg0[%get3A_4, %get3A_5] : memref<2x320000xi32, #tpu.memory_space<vmem>>, vector<1x320000xi32>
    %get3A_7 = vector.shape_cast %get3A_6 : vector<1x320000xi32> to vector<320000xi32>
    %swap3A_8 = arith.constant 0 : index
    %swap3A_9 = vector.load %arg2[%swap3A_8] : memref<320000xi32, #tpu.memory_space<vmem>>, vector<320000xi32>
    tpu.vector_store %arg2[%swap3A_8], %get3A_7 {strides = array<i32>} : memref<320000xi32, #tpu.memory_space<vmem>>, vector<320000xi32>,
    return
  }
}

module attributes {stable_mosaic.version = 14 : i64} {
  func.func @_dense_body(%arg0: i32, %arg1: memref<2x5000x128xf32, #tpu.memory_space<vmem>>, %arg2: memref<2x5000x1xf32, #tpu.memory_space<vmem>>, %arg3: memref<5000x128xf32, #tpu.memory_space<vmem>>, %arg4: memref<128x128xf32, #tpu.memory_space<vmem>>, %arg5: memref<128x128xf32, #tpu.memory_space<vmem>>, %arg6: memref<1x128xf32, #tpu.memory_space<vmem>>, %arg7: memref<5000x128xf32, #tpu.memory_space<vmem>>) attributes {dimension_semantics = [#tpu.dimension_semantics<arbitrary>], iteration_bounds = array<i64: 2>, scalar_prefetch = 0 : i64, scratch_operands = 0 : i64, tpu.core_type = #tpu.core_type<tc>, window_params = [{transform_indices = @transform_0, window_bounds = array<i64: 2, 5000, 128>}, {transform_indices = @transform_1, window_bounds = array<i64: 2, 5000, 1>}, {transform_indices = @transform_2, window_bounds = array<i64: 5000, 128>}, {pipeline_mode = #tpu.pipeline_mode<synchronous>, transform_indices = @transform_3, window_bounds = array<i64: 128, 128>}, {pipeline_mode = #tpu.pipeline_mode<synchronous>, transform_indices = @transform_4, window_bounds = array<i64: 128, 128>}, {pipeline_mode = #tpu.pipeline_mode<synchronous>, transform_indices = @transform_5, window_bounds = array<i64: 1, 128>}, {transform_indices = @transform_6, window_bounds = array<i64: 5000, 128>}]} {
    %get3A = arith.constant 0 : index
    %get3A_0 = arith.constant 0 : index
    %get3A_1 = arith.constant 0 : index
    %get3A_2 = vector.load %arg1[%get3A, %get3A_0, %get3A_1] : memref<2x5000x128xf32, #tpu.memory_space<vmem>>, vector<1x5000x128xf32>
    %get3A_3 = vector.shape_cast %get3A_2 : vector<1x5000x128xf32> to vector<5000x128xf32>
    %get3A_4 = arith.constant 1 : index
    %get3A_5 = arith.constant 0 : index
    %get3A_6 = arith.constant 0 : index
    %get3A_7 = vector.load %arg1[%get3A_4, %get3A_5, %get3A_6] : memref<2x5000x128xf32, #tpu.memory_space<vmem>>, vector<1x5000x128xf32>
    %get3A_8 = vector.shape_cast %get3A_7 : vector<1x5000x128xf32> to vector<5000x128xf32>
    %add3A = arith.addf %get3A_3, %get3A_8 : vector<5000x128xf32>
    %get3A_9 = arith.constant 0 : index
    %get3A_10 = arith.constant 0 : index
    %get3A_11 = arith.constant 0 : index
    %get3A_12 = vector.load %arg2[%get3A_9, %get3A_10, %get3A_11] : memref<2x5000x1xf32, #tpu.memory_space<vmem>>, vector<1x5000x1xf32>
    %get3A_13 = vector.shape_cast %get3A_12 : vector<1x5000x1xf32> to vector<5000xf32>
    %get3A_14 = arith.constant 1 : index
    %get3A_15 = arith.constant 0 : index
    %get3A_16 = arith.constant 0 : index
    %get3A_17 = vector.load %arg2[%get3A_14, %get3A_15, %get3A_16] : memref<2x5000x1xf32, #tpu.memory_space<vmem>>, vector<1x5000x1xf32>
    %get3A_18 = vector.shape_cast %get3A_17 : vector<1x5000x1xf32> to vector<5000xf32>
    %add3A_19 = arith.addf %get3A_13, %get3A_18 : vector<5000xf32>
    %max3A = arith.constant 1.000000e+00 : f32
    %max3A_20 = vector.broadcast %max3A : f32 to vector<5000xf32>
    %max3A_21 = arith.maximumf %add3A_19, %max3A_20 : vector<5000xf32>
    %broadcast_in_dim3A = vector.shape_cast %max3A_21 : vector<5000xf32> to vector<5000x1xf32>
    %div3A = vector.broadcast %broadcast_in_dim3A : vector<5000x1xf32> to vector<5000x128xf32>
    %div3A_22 = arith.divf %add3A, %div3A : vector<5000x128xf32>
    %get3A_23 = arith.constant 0 : index
    %get3A_24 = arith.constant 0 : index
    %get3A_25 = vector.load %arg3[%get3A_23, %get3A_24] : memref<5000x128xf32, #tpu.memory_space<vmem>>, vector<5000x128xf32>
    %get3A_26 = arith.constant 0 : index
    %get3A_27 = arith.constant 0 : index
    %get3A_28 = vector.load %arg4[%get3A_26, %get3A_27] : memref<128x128xf32, #tpu.memory_space<vmem>>, vector<128x128xf32>
    %dot_general3A = arith.constant dense<0.000000e+00> : vector<5000x128xf32>
    %dot_general3A_29 = tpu.matmul %get3A_25, %get3A_28, %dot_general3A {dimension_numbers = #tpu.dot_dimension_numbers<[1], [0], [0], [1], [0, 0, 1, 1], [], []>, transpose_lhs_hint = false} : vector<5000x128xf32>, vector<128x128xf32>, vector<5000x128xf32> -> vector<5000x128xf32>
    %get3A_30 = arith.constant 0 : index
    %get3A_31 = arith.constant 0 : index
    %get3A_32 = vector.load %arg5[%get3A_30, %get3A_31] : memref<128x128xf32, #tpu.memory_space<vmem>>, vector<128x128xf32>
    %dot_general3A_33 = arith.constant dense<0.000000e+00> : vector<5000x128xf32>
    %dot_general3A_34 = tpu.matmul %div3A_22, %get3A_32, %dot_general3A_33 {dimension_numbers = #tpu.dot_dimension_numbers<[1], [0], [0], [1], [0, 0, 1, 1], [], []>, transpose_lhs_hint = false} : vector<5000x128xf32>, vector<128x128xf32>, vector<5000x128xf32> -> vector<5000x128xf32>
    %add3A_35 = arith.addf %dot_general3A_29, %dot_general3A_34 : vector<5000x128xf32>
    %get3A_36 = arith.constant 0 : index
    %get3A_37 = arith.constant 0 : index
    %get3A_38 = vector.load %arg6[%get3A_36, %get3A_37] : memref<1x128xf32, #tpu.memory_space<vmem>>, vector<1x128xf32>
    %add3A_39 = vector.broadcast %get3A_38 : vector<1x128xf32> to vector<5000x128xf32>
    %add3A_40 = arith.addf %add3A_35, %add3A_39 : vector<5000x128xf32>
    %max3A_41 = arith.constant 0.000000e+00 : f32
    %max3A_42 = vector.broadcast %max3A_41 : f32 to vector<5000x128xf32>
    %max3A_43 = arith.maximumf %add3A_40, %max3A_42 : vector<5000x128xf32>
    %swap3A = arith.constant 0 : index
    %swap3A_44 = arith.constant 0 : index
    %swap3A_45 = vector.load %arg7[%swap3A, %swap3A_44] : memref<5000x128xf32, #tpu.memory_space<vmem>>, vector<5000x128xf32>
    tpu.vector_store %arg7[%swap3A, %swap3A_44], %max3A_43 {strides = array<i32>} : memref<5000x128xf32, #tpu.memory_space<vmem>>, vector<5000x128xf32>,
    return
  }
  func.func @transform_0(%arg0: i32) -> (i32, i32, i32) {
    %c0_i32 = arith.constant 0 : i32
    %c0_i32_0 = arith.constant 0 : i32
    %c0_i32_1 = arith.constant 0 : i32
    return %c0_i32, %arg0, %c0_i32_0 : i32, i32, i32
  }
  func.func @transform_1(%arg0: i32) -> (i32, i32, i32) {
    %c0_i32 = arith.constant 0 : i32
    %c0_i32_0 = arith.constant 0 : i32
    %c0_i32_1 = arith.constant 0 : i32
    return %c0_i32, %arg0, %c0_i32_0 : i32, i32, i32
  }
  func.func @transform_2(%arg0: i32) -> (i32, i32) {
    %c0_i32 = arith.constant 0 : i32
    %c0_i32_0 = arith.constant 0 : i32
    return %arg0, %c0_i32 : i32, i32
  }
  func.func @transform_3(%arg0: i32) -> (i32, i32) {
    %c0_i32 = arith.constant 0 : i32
    %c0_i32_0 = arith.constant 0 : i32
    %c0_i32_1 = arith.constant 0 : i32
    return %c0_i32, %c0_i32_0 : i32, i32
  }
  func.func @transform_4(%arg0: i32) -> (i32, i32) {
    %c0_i32 = arith.constant 0 : i32
    %c0_i32_0 = arith.constant 0 : i32
    %c0_i32_1 = arith.constant 0 : i32
    return %c0_i32, %c0_i32_0 : i32, i32
  }
  func.func @transform_5(%arg0: i32) -> (i32, i32) {
    %c0_i32 = arith.constant 0 : i32
    %c0_i32_0 = arith.constant 0 : i32
    %c0_i32_1 = arith.constant 0 : i32
    return %c0_i32, %c0_i32_0 : i32, i32
  }
  func.func @transform_6(%arg0: i32) -> (i32, i32) {
    %c0_i32 = arith.constant 0 : i32
    %c0_i32_0 = arith.constant 0 : i32
    return %arg0, %c0_i32 : i32, i32
  }
}

module attributes {stable_mosaic.version = 14 : i64} {
  func.func @_dense_body(%arg0: i32, %arg1: memref<2x5000x128xf32, #tpu.memory_space<vmem>>, %arg2: memref<2x5000x1xf32, #tpu.memory_space<vmem>>, %arg3: memref<5000x128xf32, #tpu.memory_space<vmem>>, %arg4: memref<128x128xf32, #tpu.memory_space<vmem>>, %arg5: memref<128x128xf32, #tpu.memory_space<vmem>>, %arg6: memref<1x128xf32, #tpu.memory_space<vmem>>, %arg7: memref<5000x64xf32, #tpu.memory_space<vmem>>, %arg8: memref<5000x64xf32, #tpu.memory_space<vmem>>) attributes {dimension_semantics = [#tpu.dimension_semantics<arbitrary>], iteration_bounds = array<i64: 2>, scalar_prefetch = 0 : i64, scratch_operands = 0 : i64, tpu.core_type = #tpu.core_type<tc>, window_params = [{transform_indices = @transform_0, window_bounds = array<i64: 2, 5000, 128>}, {transform_indices = @transform_1, window_bounds = array<i64: 2, 5000, 1>}, {transform_indices = @transform_2, window_bounds = array<i64: 5000, 128>}, {pipeline_mode = #tpu.pipeline_mode<synchronous>, transform_indices = @transform_3, window_bounds = array<i64: 128, 128>}, {pipeline_mode = #tpu.pipeline_mode<synchronous>, transform_indices = @transform_4, window_bounds = array<i64: 128, 128>}, {pipeline_mode = #tpu.pipeline_mode<synchronous>, transform_indices = @transform_5, window_bounds = array<i64: 1, 128>}, {transform_indices = @transform_6, window_bounds = array<i64: 5000, 64>}, {transform_indices = @transform_7, window_bounds = array<i64: 5000, 64>}]} {
    %get3A = arith.constant 0 : index
    %get3A_0 = arith.constant 0 : index
    %get3A_1 = arith.constant 0 : index
    %get3A_2 = vector.load %arg1[%get3A, %get3A_0, %get3A_1] : memref<2x5000x128xf32, #tpu.memory_space<vmem>>, vector<1x5000x128xf32>
    %get3A_3 = vector.shape_cast %get3A_2 : vector<1x5000x128xf32> to vector<5000x128xf32>
    %get3A_4 = arith.constant 1 : index
    %get3A_5 = arith.constant 0 : index
    %get3A_6 = arith.constant 0 : index
    %get3A_7 = vector.load %arg1[%get3A_4, %get3A_5, %get3A_6] : memref<2x5000x128xf32, #tpu.memory_space<vmem>>, vector<1x5000x128xf32>
    %get3A_8 = vector.shape_cast %get3A_7 : vector<1x5000x128xf32> to vector<5000x128xf32>
    %add3A = arith.addf %get3A_3, %get3A_8 : vector<5000x128xf32>
    %get3A_9 = arith.constant 0 : index
    %get3A_10 = arith.constant 0 : index
    %get3A_11 = arith.constant 0 : index
    %get3A_12 = vector.load %arg2[%get3A_9, %get3A_10, %get3A_11] : memref<2x5000x1xf32, #tpu.memory_space<vmem>>, vector<1x5000x1xf32>
    %get3A_13 = vector.shape_cast %get3A_12 : vector<1x5000x1xf32> to vector<5000xf32>
    %get3A_14 = arith.constant 1 : index
    %get3A_15 = arith.constant 0 : index
    %get3A_16 = arith.constant 0 : index
    %get3A_17 = vector.load %arg2[%get3A_14, %get3A_15, %get3A_16] : memref<2x5000x1xf32, #tpu.memory_space<vmem>>, vector<1x5000x1xf32>
    %get3A_18 = vector.shape_cast %get3A_17 : vector<1x5000x1xf32> to vector<5000xf32>
    %add3A_19 = arith.addf %get3A_13, %get3A_18 : vector<5000xf32>
    %max3A = arith.constant 1.000000e+00 : f32
    %max3A_20 = vector.broadcast %max3A : f32 to vector<5000xf32>
    %max3A_21 = arith.maximumf %add3A_19, %max3A_20 : vector<5000xf32>
    %broadcast_in_dim3A = vector.shape_cast %max3A_21 : vector<5000xf32> to vector<5000x1xf32>
    %div3A = vector.broadcast %broadcast_in_dim3A : vector<5000x1xf32> to vector<5000x128xf32>
    %div3A_22 = arith.divf %add3A, %div3A : vector<5000x128xf32>
    %get3A_23 = arith.constant 0 : index
    %get3A_24 = arith.constant 0 : index
    %get3A_25 = vector.load %arg3[%get3A_23, %get3A_24] : memref<5000x128xf32, #tpu.memory_space<vmem>>, vector<5000x128xf32>
    %get3A_26 = arith.constant 0 : index
    %get3A_27 = arith.constant 0 : index
    %get3A_28 = vector.load %arg4[%get3A_26, %get3A_27] : memref<128x128xf32, #tpu.memory_space<vmem>>, vector<128x128xf32>
    %dot_general3A = arith.constant dense<0.000000e+00> : vector<5000x128xf32>
    %dot_general3A_29 = tpu.matmul %get3A_25, %get3A_28, %dot_general3A {dimension_numbers = #tpu.dot_dimension_numbers<[1], [0], [0], [1], [0, 0, 1, 1], [], []>, transpose_lhs_hint = false} : vector<5000x128xf32>, vector<128x128xf32>, vector<5000x128xf32> -> vector<5000x128xf32>
    %get3A_30 = arith.constant 0 : index
    %get3A_31 = arith.constant 0 : index
    %get3A_32 = vector.load %arg5[%get3A_30, %get3A_31] : memref<128x128xf32, #tpu.memory_space<vmem>>, vector<128x128xf32>
    %dot_general3A_33 = arith.constant dense<0.000000e+00> : vector<5000x128xf32>
    %dot_general3A_34 = tpu.matmul %div3A_22, %get3A_32, %dot_general3A_33 {dimension_numbers = #tpu.dot_dimension_numbers<[1], [0], [0], [1], [0, 0, 1, 1], [], []>, transpose_lhs_hint = false} : vector<5000x128xf32>, vector<128x128xf32>, vector<5000x128xf32> -> vector<5000x128xf32>
    %add3A_35 = arith.addf %dot_general3A_29, %dot_general3A_34 : vector<5000x128xf32>
    %get3A_36 = arith.constant 0 : index
    %get3A_37 = arith.constant 0 : index
    %get3A_38 = vector.load %arg6[%get3A_36, %get3A_37] : memref<1x128xf32, #tpu.memory_space<vmem>>, vector<1x128xf32>
    %add3A_39 = vector.broadcast %get3A_38 : vector<1x128xf32> to vector<5000x128xf32>
    %add3A_40 = arith.addf %add3A_35, %add3A_39 : vector<5000x128xf32>
    %slice3A = vector.extract_strided_slice %add3A_40 {offsets = [0, 0], sizes = [5000, 64], strides = [1, 1]} : vector<5000x128xf32> to vector<5000x64xf32>
    %swap3A = arith.constant 0 : index
    %swap3A_41 = arith.constant 0 : index
    %swap3A_42 = vector.load %arg7[%swap3A, %swap3A_41] : memref<5000x64xf32, #tpu.memory_space<vmem>>, vector<5000x64xf32>
    tpu.vector_store %arg7[%swap3A, %swap3A_41], %slice3A {strides = array<i32>} : memref<5000x64xf32, #tpu.memory_space<vmem>>, vector<5000x64xf32>,
    %slice3A_43 = vector.extract_strided_slice %add3A_40 {offsets = [0, 64], sizes = [5000, 64], strides = [1, 1]} : vector<5000x128xf32> to vector<5000x64xf32>
    %swap3A_44 = arith.constant 0 : index
    %swap3A_45 = arith.constant 0 : index
    %swap3A_46 = vector.load %arg8[%swap3A_44, %swap3A_45] : memref<5000x64xf32, #tpu.memory_space<vmem>>, vector<5000x64xf32>
    tpu.vector_store %arg8[%swap3A_44, %swap3A_45], %slice3A_43 {strides = array<i32>} : memref<5000x64xf32, #tpu.memory_space<vmem>>, vector<5000x64xf32>,
    return
  }
  func.func @transform_0(%arg0: i32) -> (i32, i32, i32) {
    %c0_i32 = arith.constant 0 : i32
    %c0_i32_0 = arith.constant 0 : i32
    %c0_i32_1 = arith.constant 0 : i32
    return %c0_i32, %arg0, %c0_i32_0 : i32, i32, i32
  }
  func.func @transform_1(%arg0: i32) -> (i32, i32, i32) {
    %c0_i32 = arith.constant 0 : i32
    %c0_i32_0 = arith.constant 0 : i32
    %c0_i32_1 = arith.constant 0 : i32
    return %c0_i32, %arg0, %c0_i32_0 : i32, i32, i32
  }
  func.func @transform_2(%arg0: i32) -> (i32, i32) {
    %c0_i32 = arith.constant 0 : i32
    %c0_i32_0 = arith.constant 0 : i32
    return %arg0, %c0_i32 : i32, i32
  }
  func.func @transform_3(%arg0: i32) -> (i32, i32) {
    %c0_i32 = arith.constant 0 : i32
    %c0_i32_0 = arith.constant 0 : i32
    %c0_i32_1 = arith.constant 0 : i32
    return %c0_i32, %c0_i32_0 : i32, i32
  }
  func.func @transform_4(%arg0: i32) -> (i32, i32) {
    %c0_i32 = arith.constant 0 : i32
    %c0_i32_0 = arith.constant 0 : i32
    %c0_i32_1 = arith.constant 0 : i32
    return %c0_i32, %c0_i32_0 : i32, i32
  }
  func.func @transform_5(%arg0: i32) -> (i32, i32) {
    %c0_i32 = arith.constant 0 : i32
    %c0_i32_0 = arith.constant 0 : i32
    %c0_i32_1 = arith.constant 0 : i32
    return %c0_i32, %c0_i32_0 : i32, i32
  }
  func.func @transform_6(%arg0: i32) -> (i32, i32) {
    %c0_i32 = arith.constant 0 : i32
    %c0_i32_0 = arith.constant 0 : i32
    return %arg0, %c0_i32 : i32, i32
  }
  func.func @transform_7(%arg0: i32) -> (i32, i32) {
    %c0_i32 = arith.constant 0 : i32
    %c0_i32_0 = arith.constant 0 : i32
    return %arg0, %c0_i32 : i32, i32
  }
}

</mosaic_0001>

<sc_bundles>
// kernel: kernel.10.cloned.1.call-start
scs
__scs_entry_jumppad:
0x0: {  	(pc) =	sbr.rel $0x88, $3  }
0x1: {  	(tag) =	ssettag $0x0;
	lr =	simm.s32 $0x1  }
0x2: {  	[smem:$0x3F96] =	sst lr;
	_ =	strace $0xD0000000  }
0x3: {  	_ = 	snop  }
0x4: {  	_ = 	snop  }
0x5: {  	_ = 	snop  }
0x6: {  	_ = 	snop  }
0x7: {  	_ = 	snop  }
__scs_overlays_trampoline_lowered:
0x8: {  	[smem:$0x3FA5] =	sst s0  }
0x9: {  	[smem:$0x3FA6] =	sst s1  }
0xa: {  	[smem:$0x3FA7] =	sst s2  }
0xb: {  	[smem:$0x3FA8] =	sst s3  }
0xc: {  	[smem:$0x3FA9] =	sst s4  }
0xd: {  	[smem:$0x3FAA] =	sst s5  }
0xe: {  	[smem:$0x3FAB] =	sst s6  }
0xf: {  	[smem:$0x3FAC] =	sst s7  }
0x10: {  	[smem:$0x3FAD] =	sst s8  }
0x11: {  	[smem:$0x3FAE] =	sst s9;
	s0 =	simm.s32 @!p0 $0x0  }
0x12: {  	s1 =	sld [smem:$0x3F94];
	s0 =	simm.s32 @p0 $0x1  }
0x13: {  	[smem:$0x3FAF] =	sst s0;
	s0 =	simm.s32 @!p1 $0x0  }
0x14: {  	s2 =	sld [smem:$0x3F93];
	s0 =	simm.s32 @p1 $0x1  }
0x15: {  	[smem:$0x3FB0] =	sst s0;
	s0 =	simm.s32 @!p2 $0x0  }
0x16: {  	s3 =	sld [smem:$0x3FDB];
	s0 =	simm.s32 @p2 $0x1  }
0x17: {  	s4 =	simm.s32 $0x1BF5;
	[smem:$0x3FB2] =	sst s0  }
0x18: {  	s0 =	sld [smem:$0x3F95];
	_ =	swait.ge [sflag:s4], $0x0  }
0x19: {  	s7 =	sld [smem:$0x3F96]  }
0x1a: {  	s8 =	sadd.s32 $0xFFFFE003, lr  }
0x1b: {  	s9 =	sadd.s32 $0xFFFFFEF7, lr;
	s5 =	simm.s32 $0xFFFFFFFF;
	p2 =	slt.u32 s8, $0xFFFFF086  }
0x1c: {  	p1 =	slt.u32 s9, $0xF7A;
	s5 =	simm.s32 @!p2 $0x0  }
0x1d: {  	s5 =	simm.s32 @p1 $0x1;
	p0 =	seq.s32 s7, s2  }
0x1e: {  	s7 =	smul.u32 @!p0 $0xF7A, s2;
	p2 =	seq.s32 @!p0 s5, $0x0  }
0x1f: {  	s9 =	smul.u32 $0xF7A, s1;
	s8 =	simm.s32 @!p0 $0x1BF5;
	p2 =	por !p2, p0  }
0x20: {  	[sflag:s8] =	ssyncset.s32 @!p0 $0xFFFFF086;
	s6 =	sadd.s32 @!p0 s3, s7;
	s7 =	simm.s32 @!p0 $0x108  }
0x21: {  	s3 =	sadd.s32 s3, s9;
	s6 =	sadd.s32 @!p0 $0x88, s6;
	s7 =	simm.s32 @p2 $0x1082  }
0x22: {  	[simem:s7], [sflag:s8] =	dma.local @!p0 [hbm:s6], $0xF7A  }
0x23: {  	s9 =	sor.u32 $0xD0000000, s2;
	s6 =	simm.s32 $0x108;
	_ =	swait.ge @!p0 [sflag:s8], $0x0  }
0x24: {  	s3 =	sadd.s32 $0x88, s3;
	s6 =	simm.s32 @!p1 $0x1082;
	[sflag:s4] =	ssyncset.s32 $0xFFFFF086  }
0x25: {  	[simem:s6], [sflag:s4] =	dma.local [hbm:s3], $0xF7A  }
0x26: {  	[smem:$0x3F96] =	sst s1;
	(tag) =	ssettag s2;
	_ =	strace s9  }
0x27: {  	s1 =	sld [smem:$0x3FA6]  }
0x28: {  	s2 =	sld [smem:$0x3FA7]  }
0x29: {  	s4 =	sld [smem:$0x3FA9]  }
0x2a: {  	p0 =	seq.s32 s5, $0x0;
	s5 =	sld [smem:$0x3FAA]  }
0x2b: {  	s6 =	sld [smem:$0x3FAB]  }
0x2c: {  	s7 =	sld [smem:$0x3FAC]  }
0x2d: {  	s3 =	simm.s32 $0x108;
	s8 =	sld [smem:$0x3FAD]  }
0x2e: {  	s3 =	simm.s32 @!p0 $0x1082;
	s9 =	sld [smem:$0x3FAE]  }
0x2f: {  	lr =	sadd.s32 s0, s3;
	s0 =	sld [smem:$0x3FA5]  }
0x30: {  	s3 =	sld [smem:$0x3FA8]  }
0x31: {  	[smem:$0x3FB1] =	sst s10  }
0x32: {  	s10 =	sld [smem:$0x3FAF];
	_ =	sdelay $0x3  }
0x33: {  	p0 =	seq.s32 s10, $0x1;
	s10 =	sld [smem:$0x3FB1];
	_ =	sdelay $0x3  }
0x34: {  	[smem:$0x3FB1] =	sst s10  }
0x35: {  	s10 =	sld [smem:$0x3FB0];
	_ =	sdelay $0x3  }
0x36: {  	p1 =	seq.s32 s10, $0x1;
	s10 =	sld [smem:$0x3FB1];
	_ =	sdelay $0x3  }
0x37: {  	[smem:$0x3FB1] =	sst s10  }
0x38: {  	s10 =	sld [smem:$0x3FB2]  }
0x39: {  	_ = 	snop;
	(pc) =	sbr.ind lr, $3  }
0x3a: {  	_ = 	snop  }
0x3b: {  	_ = 	snop  }
0x3c: {  	p2 =	seq.s32 s10, $0x1;
	s10 =	sld [smem:$0x3FB1]  }
0x3d: {  	_ =	shalt  }
0x3e: {  	_ =	shalt  }
0x3f: {  	_ =	shalt  }
0x40: {  	_ =	shalt  }
0x41: {  	_ =	shalt  }
0x42: {  	_ =	shalt  }
0x43: {  	_ =	shalt  }
0x44: {  	_ =	shalt  }
0x45: {  	_ =	shalt  }
0x46: {  	_ =	shalt  }
0x47: {  	_ =	shalt  }
0x48: {  	_ =	shalt  }
0x49: {  	_ =	shalt  }
0x4a: {  	_ =	shalt  }
0x4b: {  	_ =	shalt  }
0x4c: {  	_ =	shalt  }
0x4d: {  	_ =	shalt  }
0x4e: {  	_ =	shalt  }
0x4f: {  	_ =	shalt  }
0x50: {  	_ =	shalt  }
0x51: {  	_ =	shalt  }
0x52: {  	_ =	shalt  }
0x53: {  	_ =	shalt  }
0x54: {  	_ =	shalt  }
0x55: {  	_ =	shalt  }
0x56: {  	_ =	shalt  }
0x57: {  	_ =	shalt  }
0x58: {  	_ =	shalt  }
0x59: {  	_ =	shalt  }
0x5a: {  	_ =	shalt  }
0x5b: {  	_ =	shalt  }
0x5c: {  	_ =	shalt  }
0x5d: {  	_ =	shalt  }
0x5e: {  	_ =	shalt  }
0x5f: {  	_ =	shalt  }
0x60: {  	_ =	shalt  }
0x61: {  	_ =	shalt  }
0x62: {  	_ =	shalt  }
0x63: {  	_ =	shalt  }
0x64: {  	_ =	shalt  }
0x65: {  	_ =	shalt  }
0x66: {  	_ =	shalt  }
0x67: {  	_ =	shalt  }
0x68: {  	_ =	shalt  }
0x69: {  	_ =	shalt  }
0x6a: {  	_ =	shalt  }
0x6b: {  	_ =	shalt  }
0x6c: {  	_ =	shalt  }
0x6d: {  	_ =	shalt  }
0x6e: {  	_ =	shalt  }
0x6f: {  	_ =	shalt  }
0x70: {  	_ =	shalt  }
0x71: {  	_ =	shalt  }
0x72: {  	_ =	shalt  }
0x73: {  	_ =	shalt  }
0x74: {  	_ =	shalt  }
0x75: {  	_ =	shalt  }
0x76: {  	_ =	shalt  }
0x77: {  	_ =	shalt  }
0x78: {  	_ =	shalt  }
0x79: {  	_ =	shalt  }
0x7a: {  	_ =	shalt  }
0x7b: {  	_ =	shalt  }
0x7c: {  	_ =	shalt  }
0x7d: {  	_ =	shalt  }
0x7e: {  	_ =	shalt  }
0x7f: {  	_ =	shalt  }
0x80: {  	_ =	shalt  }
0x81: {  	_ =	shalt  }
0x82: {  	_ =	shalt  }
0x83: {  	_ =	shalt  }
0x84: {  	_ =	shalt  }
0x85: {  	_ =	shalt  }
0x86: {  	_ =	shalt  }
0x87: {  	_ =	shalt  }
.Lfunc_end0:
.L_simem_size_0:
called_computation.1_lowered:
.L_overlay_start_0:
0x88: {  	s2 =	sld [smem:$0x3FD9]  }
0x89: {  	s3 =	sld [smem:$0x3FFE];
	_ =	sdelay $0x1  }
0x8a: {  	s1 =	srdreg.scid  }
0x8b: {  	s0 =	sand.u32 $0x1, s1  }
0x8c: {  	s14 =	sshll.u32 s0, $0xA;
	s2 =	sadd.s32 s3, s2  }
0x8d: {  	s2 =	sadd.s32 s2, s14  }
0x8e: {  	[smem:$0x3FBD] =	sst s2  }
0x8f: {  	_ = 	snop  }
0x90: {  	s2 =	sld [smem:$0x3FD0];
	_ =	sdelay $0x2  }
0x91: {  	s15 =	simm.s32 $0xA;
	s4 =	simm.s32 $0x10  }
0x92: {  	[smem:s4], [sflag:s15] =	dma.local [hbm:s2], $0x1  }
0x93: {  	_ =	swait.eq [sflag:s15], $0x1  }
0x94: {  	[sflag:s15] =	ssyncset.done $0x0  }
0x95: {  	s16 =	sld [smem:$0x10];
	[sflag:s15] =	ssyncadd.s32 $0xFFFFFFFF  }
0x96: {  	s17 =	sld [smem:$0x11];
	(tm) =	ssettm $0x1  }
0x97: {  	s18 =	sld [smem:$0x3FFB];
	_ =	sdelay $0x3  }
0x98: {  	_ =	strace s18  }
0x99: {  	s4 =	sld [smem:$0x3FFC];
	_ =	sdelay $0x3  }
0x9a: {  	_ =	strace s4  }
0x9b: {  	s4 =	sld [smem:$0x3FFD];
	_ =	sdelay $0x3  }
0x9c: {  	_ =	strace s4  }
0x9d: {  	_ =	strace $0x8FFFFFFF  }
0x9e: {  	s19 =	sld [smem:$0x3FDB];
	_ =	sdelay $0x1  }
0x9f: {  	s5 =	simm.s32 $_scs_section_size  }
0xa0: {  	s6 =	simm.s32 $_size__tile_overlayer_lowered;
	s7 =	simm.s32 $_tile_overlayer_lowered  }
0xa1: {  	s22 =	simm.s32 $0x1BFF;
	s21 =	sshll.u32 s7, $0x1;
	s4 =	sadd.s32 s5, s19  }
0xa2: {  	s8 =	simm.s32 $0x0;
	s20 =	sshll.u32 s6, $0x1;
	s6 =	sadd.s32 s21, s4  }
0xa3: {  	[timem:s8], [sflag:s22] =	dma.local [hbm:s6], s20  }
0xa4: {  	_ =	swait.ge [sflag:s22], s20  }
0xa5: {  	s5 =	ssub.s32 $0x0, s20;
	[sflag:s22] =	ssyncset.done $0x0  }
0xa6: {  	[sflag:s22] =	ssyncadd.s32 s5;
	_ =	sdelay $0x1  }
0xa7: {  	s23 =	simm.s32 $0x1B8B  }
0xa8: {  	_ =	swait.ge [sflag:s23], $0x1  }
0xa9: {  	[sflag:s23] =	ssyncset.done $0x0  }
0xaa: {  	s25 =	simm.s32 $0x1B8E;
	s24 =	sld [smem:$0x3FFE];
	[sflag:s23] =	ssyncadd.s32 $0xFFFFFFFF  }
0xab: {  	s26 =	simm.s32 $execute0_lowered;
	[smem:$0x3FD2] =	sst s25  }
0xac: {  	s6 =	sshll.u32 s26, $0x1;
	_ =	strace $0x80000049;
	[dreg:$0x1] =	wrdreg $0xFFFFFFFF  }
0xad: {  	s28 =	simm.s32 $_size_execute0_lowered;
	s4 =	sadd.s32 s4, s6;
	[dreg:$0x0] =	wrdreg $0x0  }
0xae: {  	s6 =	sshll.u32 s28, $0x1;
	[dreg:$0x2] =	wrdreg s4  }
0xaf: {  	[dreg:$0x3] =	wrdreg s6  }
0xb0: {  	[dreg:$0x4] =	wrdreg $0xC0  }
0xb1: {  	_ =	task [dreg:s8], $0x5FFFF  }
0xb2: {  	[dreg:$0x1] =	wrdreg $0xFFFFFFFF  }
0xb3: {  	[dreg:$0x0] =	wrdreg $0x60  }
0xb4: {  	[dreg:$0x2] =	wrdreg s24  }
0xb5: {  	[dreg:$0x3] =	wrdreg s17  }
0xb6: {  	[dreg:$0x4] =	wrdreg s16  }
0xb7: {  	[dreg:$0x5] =	wrdreg $0x0  }
0xb8: {  	[dreg:$0x6] =	wrdreg $0x9  }
0xb9: {  	_ =	task.clear_ibuf [dreg:s8], $0x7FFFF;
	_ =	strace $0x90000049  }
0xba: {  	s29 =	simm.s32 $0x9;
	_ =	strace $0x8000004B  }
0xbb: {  	_ =	swait.ge [sflag:s29], $0x1  }
0xbc: {  	[sflag:s29] =	ssyncadd.s32 $0xFFFFFFFF  }
0xbd: {  	_ =	strace $0x9000004B  }
0xbe: {  	_ =	sfence  }
0xbf: {  	s30 =	sld [smem:$0x0];
	_ =	sdelay $0x2  }
0xc0: {  	s31 =	sshll.u32 s1, $0xD;
	s1 =	sshrl.u32 s1, $0x2  }
0xc1: {  	s3 =	sand.u32 $0x4000, s31;
	s1 =	sadd.s32 s1, s30  }
0xc2: {  	s0 =	sor.u32 s3, s0;
	s1 =	sshll.u32 s1, $0x11  }
0xc3: {  	s0 =	sor.u32 s1, s0  }
0xc4: {  	s0 =	sadd.s32 $0x8F2B, s0  }
0xc5: {  	[sflag:s0] =	ssyncadd.remote.s32 $0x1  }
0xc6: {  	_ =	sfence.sel $0xFFFF  }
0xc7: {  	[dreg:$0x0] =	wrdreg $0xFFFFFFFF;
	(pc) =	sbr.abs _section_cstart, $3  }
0xc8: {  	[dreg:$0x1] =	wrdreg $0xFFFFFFFF  }
0xc9: {  	_ =	task.clear_ibuf [dreg:s8], $0x2FFFF;
	_ =	strace $0x9FFFFFFF  }
0xca: {  	(tm) =	ssettm $0x7FFFFFFF  }
0xcb: {  	_ =	shalt  }
tec
execute0_lowered:
.L_overlay_start_1:
0x0: {  	(tag) =	ssettag $0x1  }
0x1: {  	s0 =	rddreg [dreg:$0x0]  }
0x2: {  	s1 =	rddreg [dreg:$0x1]  }
0x3: {  	s2 =	rddreg [dreg:$0x2]  }
0x4: {  	s3 =	rddreg [dreg:$0x3];
	s12 =	stileid.u32  }
0x5: {  	s5 =	srdreg.scid;
	s4 =	simm.s32 $0x0;
	s28 =	simm.s32 $0x16200  }
0x6: {  	s29 =	simm.s32 $0x1A200;
	s30 =	simm.s32 $0x16180;
	s7 =	smul.u32 $0x2700, s12  }
0x7: {  	s31 =	simm.s32 $0x1;
	s6 =	sand.u32 $0x1, s5;
	s19 =	smul.u32 $0x4E000, s12  }
0x8: {  	s18 =	sshll.u32 s12, $0x1;
	[smem:$0x7FF] =	sst s4;
	s23 =	smul.u32 $0x13800, s12  }
0x9: {  	s11 =	sadd.s32 $0xC7800, s0;
	s25 =	smul.u32 $0x4E20, s12;
	s26 =	sadd.s32 $0x124800, s3  }
0xa: {  	p0 =	seq.s32 s12, $0xF;
	s5 =	sor.u32 s6, s18;
	s21 =	smul.u32 $0x138800, s6  }
0xb: {  	_ =	strace $0x8000004A;
	s8 =	ssub.s32 $0x2, s6;
	s14 =	smul.u32 $0x2710, s6  }
0xc: {  	[dreg:$0xc] =	wrdreg s26;
	s9 =	smul.u32 $0x2710, s5;
	s5 =	sadd.s32 $0x2AA00, s0  }
0xd: {  	s7 =	sadd.s32 s7, s0;
	s10 =	sshrl.u32 s8, $0x1;
	s0 =	sadd.s32 $0x28100, s0  }
0xe: {  	s8 =	ssub.s32 s8, s10;
	s24 =	sadd.s32 $0x3800, s7;
	[dreg:$0xd] =	wrdreg s0  }
0xf: {  	s16 =	sadd.s32 s23, s21;
	s17 =	sshrl.u32 s21, $0x3;
	s0 =	sadd.s32 s14, s25  }
0x10: {  	s10 =	simm.s32 $0x4;
	s9 =	sshrl.u32 s9, $0x3;
	[dreg:$0xb] =	wrdreg s24  }
0x11: {  	s6 =	sshrl.u32 s16, $0x3;
	s7 =	sadd.s32 s11, s17;
	s21 =	smax.u32 s8, $0x1  }
0x12: {  	s24 =	sadd.s32 $0x1C0, s0;
	s1 =	sadd.s32 s1, s9;
	[dreg:$0x11] =	wrdreg s21  }
0x13: {  	s8 =	simm.s32 $0x3;
	s13 =	sadd.s32 s2, s9;
	[dreg:$0x5] =	wrdreg s1  }
0x14: {  	s18 =	sadd.s32 s11, s6;
	s26 =	sshrl.u32 s24, $0x3;
	[dreg:$0x6] =	wrdreg s13  }
0x15: {  	s24 =	simm.s32 $0x9;
	s9 =	sadd.s32 $0x8, s13;
	[dreg:$0xf] =	wrdreg s18  }
0x16: {  	s6 =	simm.s32 $0x5;
	s20 =	sadd.s32 $0x10, s13;
	[dreg:$0x7] =	wrdreg s9  }
0x17: {  	s11 =	simm.s32 $0x8;
	s22 =	sadd.s32 $0x18, s13;
	[dreg:$0x8] =	wrdreg s20  }
0x18: {  	s1 =	sshrl.u32 s19, $0x2;
	s15 =	sadd.s32 $0x4E0, s13;
	[dreg:$0x9] =	wrdreg s22  }
0x19: {  	s19 =	sadd.s32 $0x24900, s7;
	s1 =	sadd.s32 s1, s3;
	[dreg:$0xe] =	wrdreg s15  }
0x1a: {  	[dreg:$0x10] =	wrdreg s19;
	s20 =	sadd.s32 $0x140, s0;
	s22 =	sadd.s32 $0x180, s0  }
0x1b: {  	s0 =	sadd.s32 $0x100, s0;
	s9 =	simm.s32 $0x7;
	s15 =	simm.s32 $0x0  }
.Ltmp0:
0x1c: {  	[dreg:$0xa] =	wrdreg s1;
	s1 =	sshrl.u32 s20, $0x3;
	(pc) =	sbr.rel .LBB2_1-.Ltmp0, $4  }
0x1d: {  	s23 =	sshrl.u32 s22, $0x3;
	[dreg:$0x13] =	wrdreg s0;
	s0 =	sadd.s32 s26, s2  }
0x1e: {  	s26 =	simm.s32 $0x40;
	s1 =	sadd.s32 s1, s2;
	[dreg:$0x15] =	wrdreg s0  }
0x1f: {  	s25 =	sadd.s32 s23, s2;
	s0 =	simm.s32 $0x16100;
	[dreg:$0x12] =	wrdreg s1  }
0x20: {  	[dreg:$0x14] =	wrdreg s25;
	s25 =	simm.s32 $0x16000;
	s1 =	simm.s32 $0x1C200  }
.LBB2_4:
0x21: {  	_ =	swait.ge [sflag:s10], $0x2000  }
0x22: {  	[sflag:s10] =	ssyncset.done $0x0  }
0x23: {  	[sflag:s10] =	ssyncadd.s32 $0xFFFFE000  }
0x24: {  	_ =	swait.ge [sflag:s11], $0x40  }
0x25: {  	[sflag:s11] =	ssyncset.done $0x0  }
0x26: {  	[sflag:s11] =	ssyncadd.s32 $0xFFFFFFC0  }
0x27: {  	[spmem:s3] =	stream.indirect.scatter.add.f32 [tilespmem:s1], [sflag:$0x9], $0x80, s30, s26, $0xb8;
	[tilespmem:$0x1EA80] =	vst v63  }
0x28: {  	_ =	swait.ge [sflag:s24], $0x2000  }
0x29: {  	[sflag:s24] =	ssyncset.done $0x0  }
0x2a: {  	s12 =	simm.s32 $0x1E200;
	s7 =	rddreg [dreg:$0xe];
	[sflag:s24] =	ssyncadd.s32 $0xFFFFE000  }
0x2b: {  	[tilespmem:s12], [sflag:$0x9] =	stream.linear.gather [hbm4b:s7+s4], $0x10, $0x38;
	[tilespmem:$0x1EA80] =	vst v63  }
0x2c: {  	_ =	swait.ge [sflag:s24], $0x10  }
0x2d: {  	s22 =	simm.s32 $0x10;
	[sflag:s24] =	ssyncset.done $0x0  }
0x2e: {  	s13 =	simm.s32 $0x15F80;
	s14 =	simm.s32 $0x1E280;
	[sflag:s24] =	ssyncadd.s32 $0xFFFFFFF0  }
0x2f: {  	[tilespmem:s14], [sflag:$0x1] =	stream.indirect.gather [hbm4b:s5+s22], $0x80, s13, s22, $0xb8;
	[tilespmem:$0x1EA80] =	vst v63  }
0x30: {  	_ =	swait.ge [sflag:s31], $0x800  }
0x31: {  	[sflag:s31] =	ssyncset.done $0x0  }
0x32: {  	[sflag:s31] =	ssyncadd.s32 $0xFFFFF800  }
0x33: {  	[spmem:s3] =	stream.indirect.scatter.add.f32 [tilespmem:s14], [sflag:$0x9], $0x80, s12, s22, $0xb8;
	[tilespmem:$0x1EA80] =	vst v63  }
0x34: {  	_ =	swait.ge [sflag:s24], $0x800  }
0x35: {  	[sflag:s24] =	ssyncset.done $0x0  }
0x36: {  	[sflag:s24] =	ssyncadd.s32 $0xFFFFF800  }
0x37: {  	[bflag:$0x0] =	sbarrier.arrive $0xFFFF  }
0x38: {  	s12 =	rddreg [dreg:$0x10]  }
0x39: {  	s7 =	simm.s32 @p0 $0x1FC9;
	s13 =	rddreg [dreg:$0x16]  }
0x3a: {  	[hbm:s12], [sflag:s7] =	dma.local @p0 [spmem:s13], $0x2800  }
0x3b: {  	s7 =	simm.s32 @p0 $0x9  }
0x3c: {  	_ =	swait.ge @p0 [sflag:s7], $0x2800  }
0x3d: {  	[sflag:s7] =	ssyncset.done @p0 $0x0;
	s12 =	rddreg [dreg:$0x17]  }
0x3e: {  	[sflag:s7] =	ssyncadd.s32 @p0 $0xFFFFD800;
	s7 =	rddreg [dreg:$0xf]  }
0x3f: {  	[hbm:s7], [sflag:s12] =	dma.local @!p0 [spmem:s18], $0x2700  }
0x40: {  	s7 =	simm.s32 @!p0 $0x9  }
0x41: {  	_ =	swait.ge @!p0 [sflag:s7], $0x2700  }
0x42: {  	s15 =	sadd.s32 $0x1, s15;
	s23 =	rddreg [dreg:$0x11]  }
0x43: {  	p1 =	sne.s32 s15, s23  }
.Ltmp1:
0x44: {  	_ = 	snop;
	(pc) =	sbr.rel @!p1 .LBB2_5-.Ltmp1, $3  }
0x45: {  	_ =	sdelay $0x1  }
0x46: {  	[sflag:s7] =	ssyncset.done @!p0 $0x0  }
0x47: {  	[sflag:s7] =	ssyncadd.s32 @!p0 $0xFFFFD900  }
.LBB2_1:
0x48: {  	s7 =	rddreg [dreg:$0x5];
	s12 =	simm.s32 $0x13880  }
0x49: {  	[tilespmem:s12], [sflag:$0x9] =	stream.linear.gather [hbm4b:s7+s4], $0x2710, $0x38;
	[tilespmem:$0x1EA80] =	vst v63  }
0x4a: {  	_ =	swait.ge [sflag:s24], $0x2710  }
0x4b: {  	[sflag:s24] =	ssyncset.done $0x0  }
0x4c: {  	s14 =	rddreg [dreg:$0x6];
	[sflag:s24] =	ssyncadd.s32 $0xFFFFD8F0  }
0x4d: {  	[tilespmem:s25], [sflag:$0x5] =	stream.linear.gather [hbm4b:s14+s4], $0x40, $0x38;
	[tilespmem:$0x1EA80] =	vst v63  }
0x4e: {  	_ = 	snop  }
0x4f: {  	[tilespmem:s28], [sflag:$0x1] =	stream.indirect.gather [hbm4b:s5+s26], $0x80, s12, s26, $0xb8;
	[tilespmem:$0x1EA80] =	vst v63  }
0x50: {  	s17 =	simm.s32 $0x16080;
	s16 =	rddreg [dreg:$0x7]  }
0x51: {  	[tilespmem:s17], [sflag:$0x6] =	stream.linear.gather [hbm4b:s16+s4], $0x40, $0x38;
	[tilespmem:$0x1EA80] =	vst v63  }
0x52: {  	s18 =	simm.s32 $0x138C0;
	s19 =	simm.s32 $0x18200;
	s20 =	rddreg [dreg:$0x8]  }
0x53: {  	[tilespmem:s19], [sflag:$0x2] =	stream.indirect.gather [hbm4b:s5+s26], $0x80, s18, s26, $0xb8;
	[tilespmem:$0x1EA80] =	vst v63  }
0x54: {  	s22 =	rddreg [dreg:$0x9]  }
0x55: {  	[tilespmem:s0], [sflag:$0x7] =	stream.linear.gather [hbm4b:s20+s4], $0x40, $0x38;
	[tilespmem:$0x1EA80] =	vst v63  }
0x56: {  	s21 =	simm.s32 $0x13900;
	s7 =	rddreg [dreg:$0xc]  }
0x57: {  	[tilespmem:s29], [sflag:$0x3] =	stream.indirect.gather [hbm4b:s5+s26], $0x80, s21, s26, $0xb8;
	[tilespmem:$0x1EA80] =	vst v63  }
0x58: {  	s12 =	sshrl.u32 @p0 s7, $0x3;
	s7 =	rddreg [dreg:$0xd]  }
0x59: {  	[tilespmem:s30], [sflag:$0x8] =	stream.linear.gather [hbm4b:s22+s4], $0x40, $0x38;
	[tilespmem:$0x1EA80] =	vst v63  }
0x5a: {  	s23 =	simm.s32 $0x13940;
	[dreg:$0x16] =	wrdreg s12;
	s17 =	simm.s32 @p0 $0x1FC9  }
0x5b: {  	[tilespmem:s1], [sflag:$0x4] =	stream.indirect.gather [hbm4b:s5+s26], $0x80, s23, s26, $0xb8;
	[tilespmem:$0x1EA80] =	vst v63  }
0x5c: {  	[spmem:s12], [sflag:s17] =	dma.local @p0 [hbm:s7], $0x2800  }
0x5d: {  	s17 =	simm.s32 @p0 $0x9  }
0x5e: {  	s7 =	stileid.u32;
	_ =	swait.ge @p0 [sflag:s17], $0x2800  }
0x5f: {  	s18 =	sshll.u32 @!p0 s7, $0x6;
	[sflag:s17] =	ssyncset.done @p0 $0x0;
	s7 =	rddreg [dreg:$0xa]  }
0x60: {  	s12 =	sor.u32 @!p0 $0x1C09, s18;
	s18 =	sshrl.u32 @!p0 s7, $0x3;
	s7 =	rddreg [dreg:$0xb]  }
0x61: {  	s19 =	simm.s32 @!p0 $0x9;
	[sflag:s17] =	ssyncadd.s32 @p0 $0xFFFFD800;
	[dreg:$0x17] =	wrdreg s12  }
0x62: {  	[spmem:s18], [sflag:s12] =	dma.local @!p0 [hbm:s7], $0x2700  }
0x63: {  	_ =	swait.ge @!p0 [sflag:s19], $0x2700  }
0x64: {  	[sflag:s19] =	ssyncset.done @!p0 $0x0  }
0x65: {  	[sflag:s19] =	ssyncadd.s32 @!p0 $0xFFFFD900  }
0x66: {  	[bflag:$0x0] =	sbarrier.arrive $0xFFFF  }
0x67: {  	s22 =	rddreg [dreg:$0x15]  }
0x68: {  	s21 =	rddreg [dreg:$0x14]  }
0x69: {  	s20 =	rddreg [dreg:$0x13]  }
0x6a: {  	s19 =	simm.s32 $0x0;
	s23 =	rddreg [dreg:$0x12]  }
.LBB2_2:
0x6b: {  	_ =	swait.ge [sflag:s31], $0x2000  }
0x6c: {  	[sflag:s31] =	ssyncset.done $0x0  }
0x6d: {  	[sflag:s31] =	ssyncadd.s32 $0xFFFFE000  }
0x6e: {  	_ =	swait.ge [sflag:s6], $0x40  }
0x6f: {  	[sflag:s6] =	ssyncset.done $0x0  }
0x70: {  	[sflag:s6] =	ssyncadd.s32 $0xFFFFFFC0  }
0x71: {  	[spmem:s3] =	stream.indirect.scatter.add.f32 [tilespmem:s28], [sflag:$0x9], $0x80, s25, s26, $0xb8;
	[tilespmem:$0x1EA80] =	vst v63  }
0x72: {  	_ =	swait.ge [sflag:s24], $0x2000  }
0x73: {  	p1 =	seq.s32 s19, $0x9800;
	[sflag:s24] =	ssyncset.done $0x0  }
0x74: {  	s7 =	simm.s32 @p1 $0x2;
	[sflag:s24] =	ssyncadd.s32 $0xFFFFE000  }
0x75: {  	_ =	swait.ge @p1 [sflag:s7], $0x2000  }
0x76: {  	[sflag:s7] =	ssyncset.done @p1 $0x0  }
0x77: {  	[sflag:s7] =	ssyncadd.s32 @p1 $0xFFFFE000;
	s7 =	simm.s32 @p1 $0x6  }
0x78: {  	_ =	swait.ge @p1 [sflag:s7], $0x40  }
0x79: {  	s12 =	simm.s32 @p1 $0x16080;
	[sflag:s7] =	ssyncset.done @p1 $0x0  }
0x7a: {  	s13 =	simm.s32 @p1 $0x18200;
	[sflag:s7] =	ssyncadd.s32 @p1 $0xFFFFFFC0;
	s7 =	simm.s32 @p1 $0x40  }
0x7b: {  	[spmem:s3] =	stream.indirect.scatter.add.f32 @p1 [tilespmem:s13], [sflag:$0x9], $0x80, s12, s7, $0xb8;
	[tilespmem:$0x1EA80] =	vst v63  }
0x7c: {  	s7 =	simm.s32 @p1 $0x9  }
0x7d: {  	_ =	swait.ge @p1 [sflag:s7], $0x2000  }
0x7e: {  	[sflag:s7] =	ssyncset.done @p1 $0x0  }
0x7f: {  	[sflag:s7] =	ssyncadd.s32 @p1 $0xFFFFE000;
	s7 =	sshrl.u32 @!p1 s20, $0x3  }
0x80: {  	s12 =	simm.s32 @!p1 $0x0;
	s13 =	simm.s32 @!p1 $0x16000;
	s7 =	sadd.s32 @!p1 s2, s7  }
0x81: {  	[tilespmem:s13], [sflag:$0x5] =	stream.linear.gather @!p1 [hbm4b:s7+s12], $0x40, $0x38;
	[tilespmem:$0x1EA80] =	vst v63  }
0x82: {  	s7 =	sshra.s32 @!p1 s19, $0x2  }
0x83: {  	s14 =	simm.s32 @!p1 $0x40;
	s16 =	simm.s32 @!p1 $0x16200;
	s13 =	sadd.s32 @!p1 $0x13980, s7  }
0x84: {  	[tilespmem:s16], [sflag:$0x1] =	stream.indirect.gather @!p1 [hbm4b:s5+s14], $0x80, s13, s14, $0xb8;
	[tilespmem:$0x1EA80] =	vst v63  }
0x85: {  	s13 =	simm.s32 @!p1 $0x2  }
0x86: {  	_ =	swait.ge @!p1 [sflag:s13], $0x2000  }
0x87: {  	[sflag:s13] =	ssyncset.done @!p1 $0x0  }
0x88: {  	[sflag:s13] =	ssyncadd.s32 @!p1 $0xFFFFE000;
	s13 =	simm.s32 @!p1 $0x6  }
0x89: {  	_ =	swait.ge @!p1 [sflag:s13], $0x40  }
0x8a: {  	s17 =	simm.s32 @!p1 $0x9;
	[sflag:s13] =	ssyncset.done @!p1 $0x0  }
0x8b: {  	s16 =	simm.s32 @!p1 $0x18200;
	[sflag:s13] =	ssyncadd.s32 @!p1 $0xFFFFFFC0;
	s13 =	simm.s32 @!p1 $0x16080  }
0x8c: {  	[spmem:s3] =	stream.indirect.scatter.add.f32 @!p1 [tilespmem:s16], [sflag:$0x9], $0x80, s13, s14, $0xb8;
	[tilespmem:$0x1EA80] =	vst v63  }
0x8d: {  	_ =	swait.ge @!p1 [sflag:s17], $0x2000  }
0x8e: {  	[sflag:s17] =	ssyncset.done @!p1 $0x0  }
0x8f: {  	[sflag:s17] =	ssyncadd.s32 @!p1 $0xFFFFE000  }
0x90: {  	[tilespmem:s13], [sflag:$0x6] =	stream.linear.gather @!p1 [hbm4b:s23+s12], $0x40, $0x38;
	[tilespmem:$0x1EA80] =	vst v63  }
0x91: {  	s7 =	sadd.s32 @!p1 $0x139C0, s7  }
0x92: {  	[tilespmem:s16], [sflag:$0x2] =	stream.indirect.gather @!p1 [hbm4b:s5+s14], $0x80, s7, s14, $0xb8;
	[tilespmem:$0x1EA80] =	vst v63  }
0x93: {  	_ =	swait.ge [sflag:s8], $0x2000  }
0x94: {  	[sflag:s8] =	ssyncset.done $0x0  }
0x95: {  	[sflag:s8] =	ssyncadd.s32 $0xFFFFE000  }
0x96: {  	_ =	swait.ge [sflag:s9], $0x40  }
0x97: {  	[sflag:s9] =	ssyncset.done $0x0  }
.Ltmp2:
0x98: {  	[sflag:s9] =	ssyncadd.s32 $0xFFFFFFC0;
	(pc) =	sbr.rel @p1 .LBB2_4-.Ltmp2, $4  }
0x99: {  	[spmem:s3] =	stream.indirect.scatter.add.f32 [tilespmem:s29], [sflag:$0x9], $0x80, s0, s26, $0xb8;
	[tilespmem:$0x1EA80] =	vst v63  }
0x9a: {  	_ =	swait.ge [sflag:s24], $0x2000  }
0x9b: {  	[sflag:s24] =	ssyncset.done $0x0  }
0x9c: {  	[sflag:s24] =	ssyncadd.s32 $0xFFFFE000  }
0x9d: {  	[tilespmem:s0], [sflag:$0x7] =	stream.linear.gather [hbm4b:s21+s4], $0x40, $0x38;
	[tilespmem:$0x1EA80] =	vst v63  }
0x9e: {  	s7 =	sshra.s32 s19, $0x2  }
0x9f: {  	s12 =	sadd.s32 $0x13A00, s7  }
0xa0: {  	[tilespmem:s29], [sflag:$0x3] =	stream.indirect.gather [hbm4b:s5+s26], $0x80, s12, s26, $0xb8;
	[tilespmem:$0x1EA80] =	vst v63  }
0xa1: {  	_ =	swait.ge [sflag:s10], $0x2000  }
0xa2: {  	[sflag:s10] =	ssyncset.done $0x0  }
0xa3: {  	[sflag:s10] =	ssyncadd.s32 $0xFFFFE000  }
0xa4: {  	_ =	swait.ge [sflag:s11], $0x40  }
0xa5: {  	[sflag:s11] =	ssyncset.done $0x0  }
0xa6: {  	[sflag:s11] =	ssyncadd.s32 $0xFFFFFFC0  }
0xa7: {  	[spmem:s3] =	stream.indirect.scatter.add.f32 [tilespmem:s1], [sflag:$0x9], $0x80, s30, s26, $0xb8;
	[tilespmem:$0x1EA80] =	vst v63  }
0xa8: {  	_ =	swait.ge [sflag:s24], $0x2000  }
.Ltmp3:
0xa9: {  	s19 =	sadd.s32 $0x400, s19;
	[sflag:s24] =	ssyncset.done $0x0;
	(pc) =	sbr.rel .LBB2_2-.Ltmp3, $4  }
0xaa: {  	s23 =	sadd.s32 $0x20, s23;
	s20 =	sadd.s32 $0x100, s20;
	[sflag:s24] =	ssyncadd.s32 $0xFFFFE000  }
0xab: {  	[tilespmem:s30], [sflag:$0x8] =	stream.linear.gather [hbm4b:s22+s4], $0x40, $0x38;
	[tilespmem:$0x1EA80] =	vst v63  }
0xac: {  	s21 =	sadd.s32 $0x20, s21;
	s7 =	sadd.s32 $0x13A40, s7;
	s22 =	sadd.s32 $0x20, s22  }
0xad: {  	[tilespmem:s1], [sflag:$0x4] =	stream.indirect.gather [hbm4b:s5+s26], $0x80, s7, s26, $0xb8;
	[tilespmem:$0x1EA80] =	vst v63  }
.LBB2_5:
0xae: {  	_ =	sfence.sel $0x180000  }
0xaf: {  	[bflag:$0x0] =	sbarrier.arrive $0xFFFF  }
0xb0: {  	_ =	strace $0x9000004A  }
0xb1: {  	s0 =	stileid.u32;
	[bflag:$0x2] =	sbarrier.arrive $0xFFFF  }
0xb2: {  	p0 =	sne.s32 s0, $0x0;
	s0 =	rddreg [dreg:$0x4]  }
0xb3: {  	s0 =	sadd.s32 @!p0 $0x100000, s0  }
0xb4: {  	[sflag:s0] =	ssyncadd.tile.s32 @!p0 $0x1;
	_ =	shalt  }
.Lfunc_end2:
_tile_overlayer_lowered:
.L_overlay_start_2:
0xb5: {  	(tag) =	ssettag $0x2  }
0xb6: {  	s0 =	rddreg [dreg:$0x0];
	s2 =	stileid.u32  }
0xb7: {  	s1 =	rddreg [dreg:$0x1];
	p0 =	sne.s32 s2, $0x0  }
0xb8: {  	s3 =	rddreg [dreg:$0x2];
	[bflag:$0x3] =	sbarrier.arrive $0xFFFF;
	s2 =	simm.s32 @!p0 $0x1C09  }
0xb9: {  	[timem:s3], [sflag:s2] =	dma.local @!p0 [hbm:s0], s1  }
0xba: {  	s0 =	simm.s32 @!p0 $0x9  }
0xbb: {  	_ =	swait.ge @!p0 [sflag:s0], s1  }
0xbc: {  	s1 =	ssub.s32 @!p0 $0x0, s1;
	[sflag:s0] =	ssyncset.done @!p0 $0x0  }
0xbd: {  	[sflag:s0] =	ssyncadd.s32 @!p0 s1  }
0xbe: {  	[bflag:$0x3] =	sbarrier.arrive $0xFFFF  }
0xbf: {  	_ =	shalt  }

// kernel: kernel.7.cloned.1.call-start
scs
__scs_entry_jumppad:
0x0: {  	(pc) =	sbr.rel $0x88, $3  }
0x1: {  	(tag) =	ssettag $0x0;
	lr =	simm.s32 $0x1  }
0x2: {  	[smem:$0x3F96] =	sst lr;
	_ =	strace $0xD0000000  }
0x3: {  	_ = 	snop  }
0x4: {  	_ = 	snop  }
0x5: {  	_ = 	snop  }
0x6: {  	_ = 	snop  }
0x7: {  	_ = 	snop  }
__scs_overlays_trampoline_lowered:
0x8: {  	[smem:$0x3FA5] =	sst s0  }
0x9: {  	[smem:$0x3FA6] =	sst s1  }
0xa: {  	[smem:$0x3FA7] =	sst s2  }
0xb: {  	[smem:$0x3FA8] =	sst s3  }
0xc: {  	[smem:$0x3FA9] =	sst s4  }
0xd: {  	[smem:$0x3FAA] =	sst s5  }
0xe: {  	[smem:$0x3FAB] =	sst s6  }
0xf: {  	[smem:$0x3FAC] =	sst s7  }
0x10: {  	[smem:$0x3FAD] =	sst s8  }
0x11: {  	[smem:$0x3FAE] =	sst s9;
	s0 =	simm.s32 @!p0 $0x0  }
0x12: {  	s1 =	sld [smem:$0x3F94];
	s0 =	simm.s32 @p0 $0x1  }
0x13: {  	[smem:$0x3FAF] =	sst s0;
	s0 =	simm.s32 @!p1 $0x0  }
0x14: {  	s2 =	sld [smem:$0x3F93];
	s0 =	simm.s32 @p1 $0x1  }
0x15: {  	[smem:$0x3FB0] =	sst s0;
	s0 =	simm.s32 @!p2 $0x0  }
0x16: {  	s3 =	sld [smem:$0x3FDB];
	s0 =	simm.s32 @p2 $0x1  }
0x17: {  	s4 =	simm.s32 $0x1BF5;
	[smem:$0x3FB2] =	sst s0  }
0x18: {  	s0 =	sld [smem:$0x3F95];
	_ =	swait.ge [sflag:s4], $0x0  }
0x19: {  	s7 =	sld [smem:$0x3F96]  }
0x1a: {  	s8 =	sadd.s32 $0xFFFFE003, lr  }
0x1b: {  	s9 =	sadd.s32 $0xFFFFFEF7, lr;
	s5 =	simm.s32 $0xFFFFFFFF;
	p2 =	slt.u32 s8, $0xFFFFF086  }
0x1c: {  	p1 =	slt.u32 s9, $0xF7A;
	s5 =	simm.s32 @!p2 $0x0  }
0x1d: {  	s5 =	simm.s32 @p1 $0x1;
	p0 =	seq.s32 s7, s2  }
0x1e: {  	s7 =	smul.u32 @!p0 $0xF7A, s2;
	p2 =	seq.s32 @!p0 s5, $0x0  }
0x1f: {  	s9 =	smul.u32 $0xF7A, s1;
	s8 =	simm.s32 @!p0 $0x1BF5;
	p2 =	por !p2, p0  }
0x20: {  	[sflag:s8] =	ssyncset.s32 @!p0 $0xFFFFF086;
	s6 =	sadd.s32 @!p0 s3, s7;
	s7 =	simm.s32 @!p0 $0x108  }
0x21: {  	s3 =	sadd.s32 s3, s9;
	s6 =	sadd.s32 @!p0 $0x88, s6;
	s7 =	simm.s32 @p2 $0x1082  }
0x22: {  	[simem:s7], [sflag:s8] =	dma.local @!p0 [hbm:s6], $0xF7A  }
0x23: {  	s9 =	sor.u32 $0xD0000000, s2;
	s6 =	simm.s32 $0x108;
	_ =	swait.ge @!p0 [sflag:s8], $0x0  }
0x24: {  	s3 =	sadd.s32 $0x88, s3;
	s6 =	simm.s32 @!p1 $0x1082;
	[sflag:s4] =	ssyncset.s32 $0xFFFFF086  }
0x25: {  	[simem:s6], [sflag:s4] =	dma.local [hbm:s3], $0xF7A  }
0x26: {  	[smem:$0x3F96] =	sst s1;
	(tag) =	ssettag s2;
	_ =	strace s9  }
0x27: {  	s1 =	sld [smem:$0x3FA6]  }
0x28: {  	s2 =	sld [smem:$0x3FA7]  }
0x29: {  	s4 =	sld [smem:$0x3FA9]  }
0x2a: {  	p0 =	seq.s32 s5, $0x0;
	s5 =	sld [smem:$0x3FAA]  }
0x2b: {  	s6 =	sld [smem:$0x3FAB]  }
0x2c: {  	s7 =	sld [smem:$0x3FAC]  }
0x2d: {  	s3 =	simm.s32 $0x108;
	s8 =	sld [smem:$0x3FAD]  }
0x2e: {  	s3 =	simm.s32 @!p0 $0x1082;
	s9 =	sld [smem:$0x3FAE]  }
0x2f: {  	lr =	sadd.s32 s0, s3;
	s0 =	sld [smem:$0x3FA5]  }
0x30: {  	s3 =	sld [smem:$0x3FA8]  }
0x31: {  	[smem:$0x3FB1] =	sst s10  }
0x32: {  	s10 =	sld [smem:$0x3FAF];
	_ =	sdelay $0x3  }
0x33: {  	p0 =	seq.s32 s10, $0x1;
	s10 =	sld [smem:$0x3FB1];
	_ =	sdelay $0x3  }
0x34: {  	[smem:$0x3FB1] =	sst s10  }
0x35: {  	s10 =	sld [smem:$0x3FB0];
	_ =	sdelay $0x3  }
0x36: {  	p1 =	seq.s32 s10, $0x1;
	s10 =	sld [smem:$0x3FB1];
	_ =	sdelay $0x3  }
0x37: {  	[smem:$0x3FB1] =	sst s10  }
0x38: {  	s10 =	sld [smem:$0x3FB2]  }
0x39: {  	_ = 	snop;
	(pc) =	sbr.ind lr, $3  }
0x3a: {  	_ = 	snop  }
0x3b: {  	_ = 	snop  }
0x3c: {  	p2 =	seq.s32 s10, $0x1;
	s10 =	sld [smem:$0x3FB1]  }
0x3d: {  	_ =	shalt  }
0x3e: {  	_ =	shalt  }
0x3f: {  	_ =	shalt  }
0x40: {  	_ =	shalt  }
0x41: {  	_ =	shalt  }
0x42: {  	_ =	shalt  }
0x43: {  	_ =	shalt  }
0x44: {  	_ =	shalt  }
0x45: {  	_ =	shalt  }
0x46: {  	_ =	shalt  }
0x47: {  	_ =	shalt  }
0x48: {  	_ =	shalt  }
0x49: {  	_ =	shalt  }
0x4a: {  	_ =	shalt  }
0x4b: {  	_ =	shalt  }
0x4c: {  	_ =	shalt  }
0x4d: {  	_ =	shalt  }
0x4e: {  	_ =	shalt  }
0x4f: {  	_ =	shalt  }
0x50: {  	_ =	shalt  }
0x51: {  	_ =	shalt  }
0x52: {  	_ =	shalt  }
0x53: {  	_ =	shalt  }
0x54: {  	_ =	shalt  }
0x55: {  	_ =	shalt  }
0x56: {  	_ =	shalt  }
0x57: {  	_ =	shalt  }
0x58: {  	_ =	shalt  }
0x59: {  	_ =	shalt  }
0x5a: {  	_ =	shalt  }
0x5b: {  	_ =	shalt  }
0x5c: {  	_ =	shalt  }
0x5d: {  	_ =	shalt  }
0x5e: {  	_ =	shalt  }
0x5f: {  	_ =	shalt  }
0x60: {  	_ =	shalt  }
0x61: {  	_ =	shalt  }
0x62: {  	_ =	shalt  }
0x63: {  	_ =	shalt  }
0x64: {  	_ =	shalt  }
0x65: {  	_ =	shalt  }
0x66: {  	_ =	shalt  }
0x67: {  	_ =	shalt  }
0x68: {  	_ =	shalt  }
0x69: {  	_ =	shalt  }
0x6a: {  	_ =	shalt  }
0x6b: {  	_ =	shalt  }
0x6c: {  	_ =	shalt  }
0x6d: {  	_ =	shalt  }
0x6e: {  	_ =	shalt  }
0x6f: {  	_ =	shalt  }
0x70: {  	_ =	shalt  }
0x71: {  	_ =	shalt  }
0x72: {  	_ =	shalt  }
0x73: {  	_ =	shalt  }
0x74: {  	_ =	shalt  }
0x75: {  	_ =	shalt  }
0x76: {  	_ =	shalt  }
0x77: {  	_ =	shalt  }
0x78: {  	_ =	shalt  }
0x79: {  	_ =	shalt  }
0x7a: {  	_ =	shalt  }
0x7b: {  	_ =	shalt  }
0x7c: {  	_ =	shalt  }
0x7d: {  	_ =	shalt  }
0x7e: {  	_ =	shalt  }
0x7f: {  	_ =	shalt  }
0x80: {  	_ =	shalt  }
0x81: {  	_ =	shalt  }
0x82: {  	_ =	shalt  }
0x83: {  	_ =	shalt  }
0x84: {  	_ =	shalt  }
0x85: {  	_ =	shalt  }
0x86: {  	_ =	shalt  }
0x87: {  	_ =	shalt  }
.Lfunc_end0:
.L_simem_size_0:
called_computation_lowered:
.L_overlay_start_0:
0x88: {  	s2 =	sld [smem:$0x3FD9]  }
0x89: {  	s3 =	sld [smem:$0x3FFE];
	_ =	sdelay $0x1  }
0x8a: {  	s1 =	srdreg.scid  }
0x8b: {  	s0 =	sand.u32 $0x1, s1  }
0x8c: {  	s14 =	sshll.u32 s0, $0xA;
	s2 =	sadd.s32 s3, s2  }
0x8d: {  	s2 =	sadd.s32 s2, s14  }
0x8e: {  	[smem:$0x3FBD] =	sst s2  }
0x8f: {  	_ = 	snop  }
0x90: {  	s2 =	sld [smem:$0x3FD0];
	_ =	sdelay $0x2  }
0x91: {  	s4 =	simm.s32 $0xA;
	s5 =	simm.s32 $0x10;
	s15 =	sld [smem:$0x3FC9]  }
0x92: {  	[smem:s5], [sflag:s4] =	dma.local [hbm:s2], $0x1  }
0x93: {  	_ =	swait.eq [sflag:s4], $0x1  }
0x94: {  	[sflag:s4] =	ssyncset.done $0x0  }
0x95: {  	s16 =	sld [smem:$0x10];
	[sflag:s4] =	ssyncadd.s32 $0xFFFFFFFF  }
0x96: {  	s17 =	sld [smem:$0x11];
	(tm) =	ssettm $0x1  }
0x97: {  	s18 =	sld [smem:$0x3FFB];
	_ =	sdelay $0x3  }
0x98: {  	_ =	strace s18  }
0x99: {  	s5 =	sld [smem:$0x3FFC];
	_ =	sdelay $0x3  }
0x9a: {  	_ =	strace s5  }
0x9b: {  	s5 =	sld [smem:$0x3FFD];
	_ =	sdelay $0x3  }
0x9c: {  	_ =	strace s5  }
0x9d: {  	_ =	strace $0x8FFFFFFF  }
0x9e: {  	s19 =	sld [smem:$0x3FDB];
	_ =	sdelay $0x1  }
0x9f: {  	s6 =	simm.s32 $_scs_section_size  }
0xa0: {  	s7 =	simm.s32 $_size__tile_overlayer_lowered;
	s8 =	simm.s32 $_tile_overlayer_lowered  }
0xa1: {  	s22 =	simm.s32 $0x1BFF;
	s21 =	sshll.u32 s8, $0x1;
	s5 =	sadd.s32 s6, s19  }
0xa2: {  	s9 =	simm.s32 $0x0;
	s20 =	sshll.u32 s7, $0x1;
	s7 =	sadd.s32 s21, s5  }
0xa3: {  	[timem:s9], [sflag:s22] =	dma.local [hbm:s7], s20  }
0xa4: {  	_ =	swait.ge [sflag:s22], s20  }
0xa5: {  	s6 =	ssub.s32 $0x0, s20;
	[sflag:s22] =	ssyncset.done $0x0  }
0xa6: {  	[sflag:s22] =	ssyncadd.s32 s6;
	_ =	sdelay $0x1  }
0xa7: {  	s23 =	simm.s32 $0x1B8B  }
0xa8: {  	_ =	swait.ge [sflag:s23], $0x1  }
0xa9: {  	[sflag:s23] =	ssyncset.done $0x0  }
0xaa: {  	s25 =	simm.s32 $0x1B8E;
	s24 =	sld [smem:$0x3FFE];
	[sflag:s23] =	ssyncadd.s32 $0xFFFFFFFF  }
0xab: {  	s26 =	simm.s32 $execute0_lowered;
	[smem:$0x3FD2] =	sst s25  }
0xac: {  	s7 =	sshll.u32 s26, $0x1;
	_ =	strace $0x80000046;
	[dreg:$0x1] =	wrdreg $0xFFFFFFFF  }
0xad: {  	s28 =	simm.s32 $_size_execute0_lowered;
	s5 =	sadd.s32 s5, s7;
	[dreg:$0x0] =	wrdreg $0x0  }
0xae: {  	s7 =	sshll.u32 s28, $0x1;
	[dreg:$0x2] =	wrdreg s5  }
0xaf: {  	[dreg:$0x3] =	wrdreg s7  }
0xb0: {  	[dreg:$0x4] =	wrdreg $0xC0  }
0xb1: {  	_ =	task [dreg:s9], $0x5FFFF  }
0xb2: {  	[dreg:$0x1] =	wrdreg $0xFFFFFFFF  }
0xb3: {  	[dreg:$0x0] =	wrdreg $0x60  }
0xb4: {  	[dreg:$0x2] =	wrdreg s15  }
0xb5: {  	[dreg:$0x3] =	wrdreg s17  }
0xb6: {  	[dreg:$0x4] =	wrdreg s16  }
0xb7: {  	[dreg:$0x5] =	wrdreg s24  }
0xb8: {  	[dreg:$0x6] =	wrdreg $0x0  }
0xb9: {  	[dreg:$0x7] =	wrdreg $0x138800  }
0xba: {  	[dreg:$0x8] =	wrdreg $0x9  }
0xbb: {  	_ =	task.clear_ibuf [dreg:s9], $0x9FFFF;
	_ =	strace $0x90000046  }
0xbc: {  	s29 =	simm.s32 $0x9;
	_ =	strace $0x80000048  }
0xbd: {  	_ =	swait.ge [sflag:s29], $0x1  }
0xbe: {  	[sflag:s29] =	ssyncadd.s32 $0xFFFFFFFF  }
0xbf: {  	_ =	strace $0x90000048  }
0xc0: {  	_ =	sfence  }
0xc1: {  	s30 =	sld [smem:$0x0];
	_ =	sdelay $0x2  }
0xc2: {  	s31 =	sshll.u32 s1, $0xD;
	s1 =	sshrl.u32 s1, $0x2  }
0xc3: {  	s3 =	sand.u32 $0x4000, s31;
	s1 =	sadd.s32 s1, s30  }
0xc4: {  	s0 =	sor.u32 s3, s0;
	s1 =	sshll.u32 s1, $0x11  }
0xc5: {  	s0 =	sor.u32 s1, s0  }
0xc6: {  	s0 =	sadd.s32 $0x8F2B, s0  }
0xc7: {  	[sflag:s0] =	ssyncadd.remote.s32 $0x1  }
0xc8: {  	_ =	sfence.sel $0xFFFF  }
0xc9: {  	[dreg:$0x0] =	wrdreg $0xFFFFFFFF;
	(pc) =	sbr.abs _section_cstart, $3  }
0xca: {  	[dreg:$0x1] =	wrdreg $0xFFFFFFFF  }
0xcb: {  	_ =	task.clear_ibuf [dreg:s9], $0x2FFFF;
	_ =	strace $0x9FFFFFFF  }
0xcc: {  	(tm) =	ssettm $0x7FFFFFFF  }
0xcd: {  	_ =	shalt  }
tec
execute0_lowered:
.L_overlay_start_1:
0x0: {  	(tag) =	ssettag $0x1  }
0x1: {  	s1 =	rddreg [dreg:$0x0]  }
0x2: {  	s0 =	rddreg [dreg:$0x1]  }
0x3: {  	s2 =	rddreg [dreg:$0x2]  }
0x4: {  	s3 =	rddreg [dreg:$0x3]  }
0x5: {  	s4 =	rddreg [dreg:$0x4]  }
0x6: {  	s5 =	rddreg [dreg:$0x5];
	s16 =	simm.s32 $0x0;
	s6 =	stileid.u32  }
0x7: {  	s7 =	srdreg.scid;
	s30 =	simm.s32 $0x9;
	s8 =	smul.u32 $0x2700, s6  }
0x8: {  	s31 =	simm.s32 $0x16278;
	s7 =	sand.u32 $0x1, s7;
	s14 =	smul.u32 $0x270, s6  }
0x9: {  	s9 =	sshll.u32 s6, $0x1;
	[smem:$0x7FF] =	sst s16;
	s20 =	smul.u32 $0x4E000, s6  }
0xa: {  	s10 =	sadd.s32 $0x2B400, s3;
	s11 =	sadd.s32 $0x2AA00, s3;
	s26 =	smul.u32 $0x13800, s6  }
0xb: {  	s28 =	sadd.s32 $0x124800, s4;
	s19 =	smul.u32 $0x4E20, s6;
	p0 =	seq.s32 s6, $0xF  }
0xc: {  	s6 =	simm.s32 $0x0;
	s9 =	sor.u32 s7, s9;
	s22 =	smul.u32 $0x138800, s7  }
0xd: {  	_ =	strace $0x80000047;
	s12 =	ssub.s32 $0x2, s7;
	s7 =	smul.u32 $0x2710, s7  }
0xe: {  	[dreg:$0xe] =	wrdreg s28;
	s8 =	sadd.s32 s8, s3;
	s9 =	smul.u32 $0x2710, s9  }
0xf: {  	s13 =	sshrl.u32 s12, $0x1;
	s25 =	sshrl.u32 s20, $0x2;
	s3 =	sadd.s32 $0x28100, s3  }
0x10: {  	s23 =	sadd.s32 s14, s5;
	s12 =	ssub.s32 s12, s13;
	s8 =	sadd.s32 $0x3800, s8  }
0x11: {  	s29 =	sadd.s32 s26, s22;
	[dreg:$0xf] =	wrdreg s3;
	s13 =	sadd.s32 s14, s7  }
0x12: {  	s18 =	sshrl.u32 s7, $0x3;
	s14 =	simm.s32 $0x1;
	[dreg:$0x10] =	wrdreg s23  }
0x13: {  	s9 =	sshrl.u32 s9, $0x3;
	[dreg:$0xd] =	wrdreg s8;
	s20 =	sadd.s32 s11, s18  }
0x14: {  	s8 =	simm.s32 $0x162F8;
	s18 =	simm.s32 $0x2;
	s0 =	sadd.s32 s0, s9  }
0x15: {  	s15 =	sadd.s32 s2, s9;
	s9 =	sadd.s32 s25, s4;
	[dreg:$0x8] =	wrdreg s0  }
0x16: {  	s21 =	sadd.s32 $0x8, s15;
	s24 =	sadd.s32 $0x10, s15;
	[dreg:$0xc] =	wrdreg s9  }
0x17: {  	s17 =	sadd.s32 $0x18, s15;
	s9 =	sshrl.u32 s29, $0x3;
	[dreg:$0x7] =	wrdreg s15  }
0x18: {  	s0 =	sshrl.u32 s22, $0x3;
	s22 =	sadd.s32 s7, s19;
	[dreg:$0x9] =	wrdreg s21  }
0x19: {  	s29 =	sadd.s32 $0x4E0, s15;
	s15 =	simm.s32 $0x5;
	[dreg:$0xa] =	wrdreg s24  }
0x1a: {  	s19 =	simm.s32 $0x6;
	[dreg:$0xb] =	wrdreg s17;
	s3 =	sadd.s32 s10, s9  }
0x1b: {  	s17 =	sshrl.u32 s13, $0x3;
	s0 =	sadd.s32 s10, s0;
	s21 =	sadd.s32 $0x492, s20  }
0x1c: {  	s24 =	smax.u32 s12, $0x1;
	s25 =	sadd.s32 $0x100, s22;
	[dreg:$0x1b] =	wrdreg s29  }
0x1d: {  	s26 =	sadd.s32 $0x140, s22;
	s7 =	sadd.s32 $0x180, s22;
	[dreg:$0x11] =	wrdreg s3  }
0x1e: {  	s10 =	simm.s32 $0x16378;
	s12 =	simm.s32 $0x163F8;
	[dreg:$0x14] =	wrdreg s21  }
0x1f: {  	s13 =	simm.s32 $0x1C478;
	s20 =	simm.s32 $0x3;
	[dreg:$0x15] =	wrdreg s24  }
0x20: {  	s3 =	sadd.s32 s11, s17;
	s0 =	sadd.s32 $0x24900, s0;
	[dreg:$0x16] =	wrdreg s25  }
0x21: {  	s28 =	sshrl.u32 s7, $0x3;
	s25 =	sadd.s32 $0x2490, s5;
	s11 =	simm.s32 $0x1A478  }
0x22: {  	s17 =	simm.s32 $0x1ECF8;
	s21 =	simm.s32 $0x7;
	[dreg:$0x12] =	wrdreg s3  }
.Ltmp0:
0x23: {  	[dreg:$0x13] =	wrdreg s0;
	s3 =	sshrl.u32 s26, $0x3;
	(pc) =	sbr.rel .LBB2_1-.Ltmp0, $4  }
0x24: {  	s0 =	sadd.s32 $0x1C0, s22;
	[dreg:$0x1a] =	wrdreg s25;
	s3 =	sadd.s32 s3, s2  }
0x25: {  	s0 =	sshrl.u32 s0, $0x3;
	[dreg:$0x17] =	wrdreg s3;
	s3 =	sadd.s32 s28, s2  }
0x26: {  	s7 =	simm.s32 $0x8;
	s0 =	sadd.s32 s0, s2;
	[dreg:$0x18] =	wrdreg s3  }
0x27: {  	v0 =	vimm.f32 $0.0e+00;
	v1 =	vimm.f32 $1.000000000e+00;
	s22 =	simm.s32 $0x4;
	[dreg:$0x19] =	wrdreg s0;
	s0 =	simm.s32 $0x40  }
.LBB2_4:
0x28: {  	s16 =	simm.s32 $0x0;
	s2 =	rddreg [dreg:$0x1b];
	s3 =	simm.s32 $0x1E478  }
0x29: {  	[tilespmem:s3], [sflag:$0x9] =	stream.linear.gather [hbm4b:s2+s16], $0x10, $0x38;
	[tilespmem:$0x1EFF8] =	vst v63  }
0x2a: {  	_ =	swait.ge [sflag:s30], $0x10  }
0x2b: {  	s26 =	simm.s32 $0x10;
	[sflag:s30] =	ssyncset.done $0x0  }
0x2c: {  	s6 =	simm.s32 $0x161F8;
	s9 =	simm.s32 $0x1E4F8;
	[sflag:s30] =	ssyncadd.s32 $0xFFFFFFF0  }
0x2d: {  	[tilespmem:s9], [sflag:$0x1] =	stream.indirect.gather [hbm4b:s1+s26], $0x80, s6, s26, $0xb8;
	[tilespmem:$0x1EFF8] =	vst v63  }
0x2e: {  	_ =	swait.ge [sflag:s14], $0x800  }
0x2f: {  	[sflag:s14] =	ssyncset.done $0x0  }
0x30: {  	[sflag:s14] =	ssyncadd.s32 $0xFFFFF800  }
0x31: {  	[spmem:s4] =	stream.indirect.scatter.add.f32 [tilespmem:s9], [sflag:$0x9], $0x80, s3, s26, $0xb8;
	[tilespmem:$0x1EFF8] =	vst v63  }
0x32: {  	_ =	swait.ge [sflag:s30], $0x800  }
0x33: {  	[sflag:s30] =	ssyncset.done $0x0  }
0x34: {  	[sflag:s30] =	ssyncadd.s32 $0xFFFFF800  }
0x35: {  	[spmem:s5] =	stream.indirect.scatter.add.f32 [tilespmem:s17], [sflag:$0x9], $0x1, s3, s26, $0xb8;
	[tilespmem:$0x1EFF8] =	vst v63  }
0x36: {  	_ =	swait.ge [sflag:s30], $0x10  }
0x37: {  	[sflag:s30] =	ssyncset.done $0x0  }
0x38: {  	[sflag:s30] =	ssyncadd.s32 $0xFFFFFFF0  }
0x39: {  	[bflag:$0x0] =	sbarrier.arrive $0xFFFF  }
0x3a: {  	s3 =	rddreg [dreg:$0x13]  }
0x3b: {  	s2 =	simm.s32 @p0 $0x1FC9;
	s6 =	rddreg [dreg:$0x1f]  }
0x3c: {  	[hbm:s3], [sflag:s2] =	dma.local @p0 [spmem:s6], $0x2800  }
0x3d: {  	s2 =	simm.s32 @p0 $0x9  }
0x3e: {  	_ =	swait.ge @p0 [sflag:s2], $0x2800  }
0x3f: {  	[sflag:s2] =	ssyncset.done @p0 $0x0  }
0x40: {  	s3 =	simm.s32 @p0 $0x1ED78;
	s25 =	rddreg [dreg:$0x1a];
	[sflag:s2] =	ssyncadd.s32 @p0 $0xFFFFD800  }
0x41: {  	[tilespmem:s3], [sflag:$0x9] =	stream.linear.gather @p0 [spmem:s25], $0x280, $0x38;
	[tilespmem:$0x1EFF8] =	vst v63  }
0x42: {  	_ =	swait.ge @p0 [sflag:s2], $0x280  }
0x43: {  	[sflag:s2] =	ssyncset.done @p0 $0x0  }
0x44: {  	s6 =	simm.s32 @p0 $0x0;
	s9 =	rddreg [dreg:$0x14];
	[sflag:s2] =	ssyncadd.s32 @p0 $0xFFFFFD80  }
0x45: {  	[hbm4b:s9+s6] =	stream.linear.scatter @p0 [tilespmem:s3], [sflag:$0x9], $0x280, $0x38;
	[tilespmem:$0x1EFF8] =	vst v63  }
0x46: {  	_ =	swait.ge @p0 [sflag:s2], $0x280  }
0x47: {  	s3 =	rddreg [dreg:$0x1d]  }
0x48: {  	[sflag:s2] =	ssyncset.done @p0 $0x0;
	s6 =	rddreg [dreg:$0x1e]  }
0x49: {  	[sflag:s2] =	ssyncadd.s32 @p0 $0xFFFFFD80;
	s2 =	rddreg [dreg:$0x11]  }
0x4a: {  	[hbm:s2], [sflag:s3] =	dma.local @!p0 [spmem:s6], $0x2700  }
0x4b: {  	s2 =	simm.s32 @!p0 $0x9  }
0x4c: {  	_ =	swait.ge @!p0 [sflag:s2], $0x2700  }
0x4d: {  	[sflag:s2] =	ssyncset.done @!p0 $0x0  }
0x4e: {  	s3 =	simm.s32 @!p0 $0x1ED78;
	s23 =	rddreg [dreg:$0x10];
	[sflag:s2] =	ssyncadd.s32 @!p0 $0xFFFFD900  }
0x4f: {  	[tilespmem:s3], [sflag:$0x9] =	stream.linear.gather @!p0 [spmem:s23], $0x270, $0x38;
	[tilespmem:$0x1EFF8] =	vst v63  }
0x50: {  	_ =	swait.ge @!p0 [sflag:s2], $0x270  }
0x51: {  	[sflag:s2] =	ssyncset.done @!p0 $0x0  }
0x52: {  	s6 =	simm.s32 @!p0 $0x0;
	s9 =	rddreg [dreg:$0x12];
	[sflag:s2] =	ssyncadd.s32 @!p0 $0xFFFFFD90  }
0x53: {  	[hbm4b:s9+s6] =	stream.linear.scatter @!p0 [tilespmem:s3], [sflag:$0x9], $0x270, $0x38;
	[tilespmem:$0x1EFF8] =	vst v63  }
0x54: {  	_ =	swait.ge @!p0 [sflag:s2], $0x270  }
0x55: {  	s28 =	rddreg [dreg:$0x1c]  }
0x56: {  	s29 =	rddreg [dreg:$0x15];
	s6 =	sadd.s32 $0x1, s28  }
0x57: {  	p1 =	sne.s32 s6, s29  }
.Ltmp1:
0x58: {  	_ = 	snop;
	(pc) =	sbr.rel @!p1 .LBB2_5-.Ltmp1, $3  }
0x59: {  	_ =	sdelay $0x1  }
0x5a: {  	[sflag:s2] =	ssyncset.done @!p0 $0x0  }
0x5b: {  	[sflag:s2] =	ssyncadd.s32 @!p0 $0xFFFFFD90  }
.LBB2_1:
0x5c: {  	[dreg:$0x1c] =	wrdreg s6  }
0x5d: {  	s2 =	rddreg [dreg:$0x8];
	s3 =	simm.s32 $0x13AF8  }
0x5e: {  	[tilespmem:s3], [sflag:$0x9] =	stream.linear.gather [hbm4b:s2+s16], $0x2710, $0x38;
	[tilespmem:$0x1EFF8] =	vst v63  }
0x5f: {  	_ =	swait.ge [sflag:s30], $0x2710  }
0x60: {  	[sflag:s30] =	ssyncset.done $0x0  }
0x61: {  	s26 =	rddreg [dreg:$0x7];
	[sflag:s30] =	ssyncadd.s32 $0xFFFFD8F0  }
0x62: {  	[tilespmem:s31], [sflag:$0x5] =	stream.linear.gather [hbm4b:s26+s16], $0x40, $0x38;
	[tilespmem:$0x1EFF8] =	vst v63  }
0x63: {  	s6 =	simm.s32 $0x16478  }
0x64: {  	[tilespmem:s6], [sflag:$0x1] =	stream.indirect.gather [hbm4b:s1+s0], $0x80, s3, s0, $0xb8;
	[tilespmem:$0x1EFF8] =	vst v63  }
0x65: {  	s9 =	rddreg [dreg:$0x9]  }
0x66: {  	[tilespmem:s8], [sflag:$0x6] =	stream.linear.gather [hbm4b:s9+s16], $0x40, $0x38;
	[tilespmem:$0x1EFF8] =	vst v63  }
0x67: {  	s24 =	simm.s32 $0x13B38;
	s2 =	rddreg [dreg:$0xe];
	s26 =	simm.s32 $0x18478  }
0x68: {  	[tilespmem:s26], [sflag:$0x2] =	stream.indirect.gather [hbm4b:s1+s0], $0x80, s24, s0, $0xb8;
	[tilespmem:$0x1EFF8] =	vst v63  }
0x69: {  	s6 =	rddreg [dreg:$0xa]  }
0x6a: {  	[tilespmem:s10], [sflag:$0x7] =	stream.linear.gather [hbm4b:s6+s16], $0x40, $0x38;
	[tilespmem:$0x1EFF8] =	vst v63  }
0x6b: {  	s3 =	sshrl.u32 @p0 s2, $0x3;
	s2 =	rddreg [dreg:$0xf];
	s9 =	simm.s32 $0x13B78  }
0x6c: {  	[tilespmem:s11], [sflag:$0x3] =	stream.indirect.gather [hbm4b:s1+s0], $0x80, s9, s0, $0xb8;
	[tilespmem:$0x1EFF8] =	vst v63  }
0x6d: {  	s24 =	rddreg [dreg:$0xb]  }
0x6e: {  	[tilespmem:s12], [sflag:$0x8] =	stream.linear.gather [hbm4b:s24+s16], $0x40, $0x38;
	[tilespmem:$0x1EFF8] =	vst v63  }
0x6f: {  	[dreg:$0x1f] =	wrdreg s3;
	s26 =	simm.s32 $0x13BB8;
	s16 =	simm.s32 @p0 $0x1FC9  }
0x70: {  	[tilespmem:s13], [sflag:$0x4] =	stream.indirect.gather [hbm4b:s1+s0], $0x80, s26, s0, $0xb8;
	[tilespmem:$0x1EFF8] =	vst v63  }
0x71: {  	[spmem:s3], [sflag:s16] =	dma.local @p0 [hbm:s2], $0x2800  }
0x72: {  	s16 =	simm.s32 @p0 $0x9  }
0x73: {  	s2 =	stileid.u32;
	_ =	swait.ge @p0 [sflag:s16], $0x2800  }
0x74: {  	s24 =	sshll.u32 @!p0 s2, $0x6;
	s2 =	rddreg [dreg:$0xc]  }
0x75: {  	s3 =	sor.u32 @!p0 $0x1C09, s24;
	s6 =	sshrl.u32 @!p0 s2, $0x3;
	s2 =	rddreg [dreg:$0xd]  }
0x76: {  	[sflag:s16] =	ssyncset.done @p0 $0x0;
	[dreg:$0x1d] =	wrdreg s3  }
0x77: {  	s24 =	simm.s32 @!p0 $0x9;
	[sflag:s16] =	ssyncadd.s32 @p0 $0xFFFFD800;
	[dreg:$0x1e] =	wrdreg s6  }
0x78: {  	[spmem:s6], [sflag:s3] =	dma.local @!p0 [hbm:s2], $0x2700  }
0x79: {  	_ =	swait.ge @!p0 [sflag:s24], $0x2700  }
0x7a: {  	[sflag:s24] =	ssyncset.done @!p0 $0x0  }
0x7b: {  	[sflag:s24] =	ssyncadd.s32 @!p0 $0xFFFFD900  }
0x7c: {  	[tilespmem:$0x1ED78] =	vst v0  }
0x7d: {  	[tilespmem:$0x1ED88] =	vst v0  }
0x7e: {  	[tilespmem:$0x1ED98] =	vst v0  }
0x7f: {  	[tilespmem:$0x1EDA8] =	vst v0  }
0x80: {  	[tilespmem:$0x1EDB8] =	vst v0  }
0x81: {  	[tilespmem:$0x1EDC8] =	vst v0  }
0x82: {  	[tilespmem:$0x1EDD8] =	vst v0  }
0x83: {  	[tilespmem:$0x1EDE8] =	vst v0  }
0x84: {  	[tilespmem:$0x1EDF8] =	vst v0  }
0x85: {  	[tilespmem:$0x1EE08] =	vst v0  }
0x86: {  	[tilespmem:$0x1EE18] =	vst v0  }
0x87: {  	[tilespmem:$0x1EE28] =	vst v0  }
0x88: {  	[tilespmem:$0x1EE38] =	vst v0  }
0x89: {  	[tilespmem:$0x1EE48] =	vst v0  }
0x8a: {  	[tilespmem:$0x1EE58] =	vst v0  }
0x8b: {  	[tilespmem:$0x1EE68] =	vst v0  }
0x8c: {  	[tilespmem:$0x1EE78] =	vst v0  }
0x8d: {  	[tilespmem:$0x1EE88] =	vst v0  }
0x8e: {  	[tilespmem:$0x1EE98] =	vst v0  }
0x8f: {  	[tilespmem:$0x1EEA8] =	vst v0  }
0x90: {  	[tilespmem:$0x1EEB8] =	vst v0  }
0x91: {  	[tilespmem:$0x1EEC8] =	vst v0  }
0x92: {  	[tilespmem:$0x1EED8] =	vst v0  }
0x93: {  	[tilespmem:$0x1EEE8] =	vst v0  }
0x94: {  	[tilespmem:$0x1EEF8] =	vst v0  }
0x95: {  	[tilespmem:$0x1EF08] =	vst v0  }
0x96: {  	[tilespmem:$0x1EF18] =	vst v0  }
0x97: {  	[tilespmem:$0x1EF28] =	vst v0  }
0x98: {  	[tilespmem:$0x1EF38] =	vst v0  }
0x99: {  	[tilespmem:$0x1EF48] =	vst v0  }
0x9a: {  	[tilespmem:$0x1EF58] =	vst v0  }
0x9b: {  	[tilespmem:$0x1EF68] =	vst v0  }
0x9c: {  	[tilespmem:$0x1EF78] =	vst v0  }
0x9d: {  	[tilespmem:$0x1EF88] =	vst v0  }
0x9e: {  	[tilespmem:$0x1EF98] =	vst v0  }
0x9f: {  	[tilespmem:$0x1EFA8] =	vst v0  }
0xa0: {  	[tilespmem:$0x1EFB8] =	vst v0  }
0xa1: {  	[tilespmem:$0x1EFC8] =	vst v0  }
0xa2: {  	[tilespmem:$0x1EFD8] =	vst v0  }
0xa3: {  	s26 =	simm.s32 @p0 $0x1ED78;
	[tilespmem:$0x1EFE8] =	vst v0  }
0xa4: {  	[spmem:s25] =	stream.linear.scatter @p0 [tilespmem:s26], [sflag:$0x9], $0x280, $0x38;
	[tilespmem:$0x1EFF8] =	vst v63  }
0xa5: {  	_ =	swait.ge @p0 [sflag:s16], $0x280  }
0xa6: {  	[sflag:s16] =	ssyncset.done @p0 $0x0  }
0xa7: {  	[sflag:s16] =	ssyncadd.s32 @p0 $0xFFFFFD80;
	s16 =	simm.s32 @!p0 $0x1ED78  }
0xa8: {  	[spmem:s23] =	stream.linear.scatter @!p0 [tilespmem:s16], [sflag:$0x9], $0x270, $0x38;
	[tilespmem:$0x1EFF8] =	vst v63  }
0xa9: {  	_ =	swait.ge @!p0 [sflag:s24], $0x270  }
0xaa: {  	[sflag:s24] =	ssyncset.done @!p0 $0x0  }
0xab: {  	[sflag:s24] =	ssyncadd.s32 @!p0 $0xFFFFFD90  }
0xac: {  	[tilespmem:$0x1ECF8] =	vst v1  }
0xad: {  	[tilespmem:$0x1ED08] =	vst v1  }
0xae: {  	[tilespmem:$0x1ED18] =	vst v1  }
0xaf: {  	[tilespmem:$0x1ED28] =	vst v1  }
0xb0: {  	[bflag:$0x0] =	sbarrier.arrive $0xFFFF  }
0xb1: {  	s29 =	rddreg [dreg:$0x19]  }
0xb2: {  	s16 =	rddreg [dreg:$0x18]  }
0xb3: {  	s26 =	rddreg [dreg:$0x17]  }
0xb4: {  	s9 =	simm.s32 $0x0;
	s24 =	simm.s32 $0x0;
	s28 =	rddreg [dreg:$0x16]  }
.LBB2_2:
0xb5: {  	_ =	swait.ge [sflag:s14], $0x2000  }
0xb6: {  	[sflag:s14] =	ssyncset.done $0x0  }
0xb7: {  	[sflag:s14] =	ssyncadd.s32 $0xFFFFE000  }
0xb8: {  	_ =	swait.ge [sflag:s15], $0x40  }
0xb9: {  	[sflag:s15] =	ssyncset.done $0x0  }
0xba: {  	s2 =	simm.s32 $0x16478;
	[sflag:s15] =	ssyncadd.s32 $0xFFFFFFC0  }
0xbb: {  	[spmem:s4] =	stream.indirect.scatter.add.f32 [tilespmem:s2], [sflag:$0x9], $0x80, s31, s0, $0xb8;
	[tilespmem:$0x1EFF8] =	vst v63  }
0xbc: {  	_ =	swait.ge [sflag:s30], $0x2000  }
0xbd: {  	[sflag:s30] =	ssyncset.done $0x0  }
0xbe: {  	[sflag:s30] =	ssyncadd.s32 $0xFFFFE000  }
0xbf: {  	[spmem:s5] =	stream.indirect.scatter.add.f32 [tilespmem:s17], [sflag:$0x9], $0x1, s31, s0, $0xb8;
	[tilespmem:$0x1EFF8] =	vst v63  }
0xc0: {  	_ =	swait.ge [sflag:s30], $0x40  }
0xc1: {  	[sflag:s30] =	ssyncset.done $0x0  }
0xc2: {  	p1 =	seq.s32 s24, $0x9800;
	[sflag:s30] =	ssyncadd.s32 $0xFFFFFFC0  }
0xc3: {  	s23 =	sshrl.u32 @!p1 s28, $0x3;
	s2 =	rddreg [dreg:$0x2]  }
0xc4: {  	s25 =	simm.s32 @!p1 $0x0;
	s23 =	sadd.s32 @!p1 s2, s23;
	s2 =	simm.s32 @!p1 $0x16278  }
0xc5: {  	[tilespmem:s2], [sflag:$0x5] =	stream.linear.gather @!p1 [hbm4b:s23+s25], $0x40, $0x38;
	[tilespmem:$0x1EFF8] =	vst v63  }
0xc6: {  	s2 =	sshra.s32 @!p1 s24, $0x2  }
0xc7: {  	s6 =	simm.s32 @!p1 $0x40;
	s3 =	simm.s32 @!p1 $0x16478;
	s23 =	sadd.s32 @!p1 $0x13BF8, s2  }
0xc8: {  	[tilespmem:s3], [sflag:$0x1] =	stream.indirect.gather @!p1 [hbm4b:s1+s6], $0x80, s23, s6, $0xb8;
	[tilespmem:$0x1EFF8] =	vst v63  }
0xc9: {  	_ =	swait.ge [sflag:s18], $0x2000  }
0xca: {  	[sflag:s18] =	ssyncset.done $0x0  }
0xcb: {  	[sflag:s18] =	ssyncadd.s32 $0xFFFFE000  }
0xcc: {  	_ =	swait.ge [sflag:s19], $0x40  }
0xcd: {  	[sflag:s19] =	ssyncset.done $0x0  }
0xce: {  	s23 =	simm.s32 $0x18478;
	[sflag:s19] =	ssyncadd.s32 $0xFFFFFFC0  }
0xcf: {  	[spmem:s4] =	stream.indirect.scatter.add.f32 [tilespmem:s23], [sflag:$0x9], $0x80, s8, s0, $0xb8;
	[tilespmem:$0x1EFF8] =	vst v63  }
0xd0: {  	_ =	swait.ge [sflag:s30], $0x2000  }
0xd1: {  	[sflag:s30] =	ssyncset.done $0x0  }
0xd2: {  	[sflag:s30] =	ssyncadd.s32 $0xFFFFE000  }
0xd3: {  	[spmem:s5] =	stream.indirect.scatter.add.f32 [tilespmem:s17], [sflag:$0x9], $0x1, s8, s0, $0xb8;
	[tilespmem:$0x1EFF8] =	vst v63  }
0xd4: {  	_ =	swait.ge [sflag:s30], $0x40  }
0xd5: {  	[sflag:s30] =	ssyncset.done $0x0  }
0xd6: {  	s3 =	simm.s32 @!p1 $0x162F8;
	[sflag:s30] =	ssyncadd.s32 $0xFFFFFFC0  }
0xd7: {  	[tilespmem:s3], [sflag:$0x6] =	stream.linear.gather @!p1 [hbm4b:s26+s25], $0x40, $0x38;
	[tilespmem:$0x1EFF8] =	vst v63  }
0xd8: {  	s23 =	simm.s32 @!p1 $0x18478;
	s3 =	sadd.s32 @!p1 $0x13C38, s2  }
0xd9: {  	[tilespmem:s23], [sflag:$0x2] =	stream.indirect.gather @!p1 [hbm4b:s1+s6], $0x80, s3, s6, $0xb8;
	[tilespmem:$0x1EFF8] =	vst v63  }
0xda: {  	_ =	swait.ge [sflag:s20], $0x2000  }
0xdb: {  	[sflag:s20] =	ssyncset.done $0x0  }
0xdc: {  	[sflag:s20] =	ssyncadd.s32 $0xFFFFE000  }
0xdd: {  	_ =	swait.ge [sflag:s21], $0x40  }
0xde: {  	[sflag:s21] =	ssyncset.done $0x0  }
0xdf: {  	[sflag:s21] =	ssyncadd.s32 $0xFFFFFFC0  }
0xe0: {  	[spmem:s4] =	stream.indirect.scatter.add.f32 [tilespmem:s11], [sflag:$0x9], $0x80, s10, s0, $0xb8;
	[tilespmem:$0x1EFF8] =	vst v63  }
0xe1: {  	_ =	swait.ge [sflag:s30], $0x2000  }
0xe2: {  	[sflag:s30] =	ssyncset.done $0x0  }
0xe3: {  	[sflag:s30] =	ssyncadd.s32 $0xFFFFE000  }
0xe4: {  	[spmem:s5] =	stream.indirect.scatter.add.f32 [tilespmem:s17], [sflag:$0x9], $0x1, s10, s0, $0xb8;
	[tilespmem:$0x1EFF8] =	vst v63  }
0xe5: {  	_ =	swait.ge [sflag:s30], $0x40  }
0xe6: {  	[sflag:s30] =	ssyncset.done $0x0  }
0xe7: {  	s3 =	simm.s32 @!p1 $0x16378;
	[sflag:s30] =	ssyncadd.s32 $0xFFFFFFC0  }
0xe8: {  	[tilespmem:s3], [sflag:$0x7] =	stream.linear.gather @!p1 [hbm4b:s16+s25], $0x40, $0x38;
	[tilespmem:$0x1EFF8] =	vst v63  }
0xe9: {  	s2 =	sadd.s32 @!p1 $0x13C78, s2;
	s3 =	simm.s32 @!p1 $0x1A478  }
0xea: {  	[tilespmem:s3], [sflag:$0x3] =	stream.indirect.gather @!p1 [hbm4b:s1+s6], $0x80, s2, s6, $0xb8;
	[tilespmem:$0x1EFF8] =	vst v63  }
0xeb: {  	_ =	swait.ge [sflag:s22], $0x2000  }
0xec: {  	[sflag:s22] =	ssyncset.done $0x0  }
0xed: {  	[sflag:s22] =	ssyncadd.s32 $0xFFFFE000  }
0xee: {  	_ =	swait.ge [sflag:s7], $0x40  }
0xef: {  	[sflag:s7] =	ssyncset.done $0x0  }
0xf0: {  	[sflag:s7] =	ssyncadd.s32 $0xFFFFFFC0  }
0xf1: {  	[spmem:s4] =	stream.indirect.scatter.add.f32 [tilespmem:s13], [sflag:$0x9], $0x80, s12, s0, $0xb8;
	[tilespmem:$0x1EFF8] =	vst v63  }
0xf2: {  	_ =	swait.ge [sflag:s30], $0x2000  }
0xf3: {  	[sflag:s30] =	ssyncset.done $0x0  }
.Ltmp2:
0xf4: {  	[sflag:s30] =	ssyncadd.s32 $0xFFFFE000;
	(pc) =	sbr.rel @p1 .LBB2_4-.Ltmp2, $4  }
0xf5: {  	[spmem:s5] =	stream.indirect.scatter.add.f32 [tilespmem:s17], [sflag:$0x9], $0x1, s12, s0, $0xb8;
	[tilespmem:$0x1EFF8] =	vst v63  }
0xf6: {  	_ =	swait.ge [sflag:s30], $0x40  }
0xf7: {  	[sflag:s30] =	ssyncset.done $0x0  }
0xf8: {  	[sflag:s30] =	ssyncadd.s32 $0xFFFFFFC0  }
0xf9: {  	[tilespmem:s12], [sflag:$0x8] =	stream.linear.gather [hbm4b:s29+s9], $0x40, $0x38;
	[tilespmem:$0x1EFF8] =	vst v63  }
.Ltmp3:
0xfa: {  	_ = 	snop;
	(pc) =	sbr.rel .LBB2_2-.Ltmp3, $4  }
0xfb: {  	s2 =	sshra.s32 s24, $0x2  }
0xfc: {  	s24 =	sadd.s32 $0x400, s24;
	s28 =	sadd.s32 $0x100, s28;
	s26 =	sadd.s32 $0x20, s26  }
0xfd: {  	s16 =	sadd.s32 $0x20, s16;
	s29 =	sadd.s32 $0x20, s29;
	s2 =	sadd.s32 $0x13CB8, s2  }
0xfe: {  	[tilespmem:s13], [sflag:$0x4] =	stream.indirect.gather [hbm4b:s1+s0], $0x80, s2, s0, $0xb8;
	[tilespmem:$0x1EFF8] =	vst v63  }
.LBB2_5:
0xff: {  	_ =	sfence.sel $0x180000  }
0x100: {  	[bflag:$0x0] =	sbarrier.arrive $0xFFFF  }
0x101: {  	_ =	strace $0x90000047  }
0x102: {  	s0 =	stileid.u32;
	[bflag:$0x2] =	sbarrier.arrive $0xFFFF  }
0x103: {  	p0 =	sne.s32 s0, $0x0;
	s0 =	rddreg [dreg:$0x6]  }
0x104: {  	s0 =	sadd.s32 @!p0 $0x100000, s0  }
0x105: {  	[sflag:s0] =	ssyncadd.tile.s32 @!p0 $0x1;
	_ =	shalt  }
.Lfunc_end2:
_tile_overlayer_lowered:
.L_overlay_start_2:
0x106: {  	(tag) =	ssettag $0x2  }
0x107: {  	s0 =	rddreg [dreg:$0x0];
	s2 =	stileid.u32  }
0x108: {  	s1 =	rddreg [dreg:$0x1];
	p0 =	sne.s32 s2, $0x0  }
0x109: {  	s3 =	rddreg [dreg:$0x2];
	[bflag:$0x3] =	sbarrier.arrive $0xFFFF;
	s2 =	simm.s32 @!p0 $0x1C09  }
0x10a: {  	[timem:s3], [sflag:s2] =	dma.local @!p0 [hbm:s0], s1  }
0x10b: {  	s0 =	simm.s32 @!p0 $0x9  }
0x10c: {  	_ =	swait.ge @!p0 [sflag:s0], s1  }
0x10d: {  	s1 =	ssub.s32 @!p0 $0x0, s1;
	[sflag:s0] =	ssyncset.done @!p0 $0x0  }
0x10e: {  	[sflag:s0] =	ssyncadd.s32 @!p0 s1  }
0x10f: {  	[bflag:$0x3] =	sbarrier.arrive $0xFFFF  }
0x110: {  	_ =	shalt  }

</sc_bundles>
